<compile_context>
chip_gen: v7x
topology: tpu7x:2x2x1
jax: 0.10.2.dev20260603
libtpu: 0.0.44.dev20260713+nightly
codegen_flags: <defaults>
</compile_context>

<pallas_src>
import functools

import jax
import jax.numpy as jnp
from jax import lax
from jax.experimental import pallas as pl
from jax.experimental.pallas import tpu as pltpu
from jax.experimental.pallas import tpu_sc as plsc

N = 10000
E = 320000
D_IN = 128
D_HID = 128
D_OUT = 64

NC = 2
NS = 16
NW = NC * NS
NPAD = 10240
PER_SUB = NPAD // NS
E_TILE = E // NW
K = 128
CHUNKS = 80
DST_PAD = N + 8

_LANES = 16


_MESH = plsc.VectorSubcoreMesh(
    core_axis_name="c", subcore_axis_name="s", num_cores=NC, num_subcores=NS
)


def _mesh():
    return _MESH


@functools.partial(
    pl.kernel,
    out_type=jax.ShapeDtypeStruct((NC * NPAD,), jnp.float32),
    mesh=_mesh(),
    scratch_types=[
        pltpu.VMEM((CHUNKS + 1, K), jnp.int32),
        pltpu.VMEM((K,), jnp.float32),
        pltpu.VMEM_SHARED((NPAD,), jnp.float32),
    ]
    + [pltpu.SemaphoreType.DMA] * 4,
)
def _deg_kernel(dstr_hbm, out_hbm, didx, ones, acc, *sems):
    c = lax.axis_index("c")
    s = lax.axis_index("s")
    wid = c * NS + s

    pltpu.sync_copy(dstr_hbm.at[wid], didx)

    def fill(i, _):
        ones[pl.ds(i * _LANES, _LANES)] = jnp.ones((_LANES,), jnp.float32)
        return _

    lax.fori_loop(0, K // _LANES, fill, None)

    def init(j, _):
        pltpu.sync_copy(ones, acc.at[pl.ds(s * PER_SUB + j * K, K)])
        return _

    lax.fori_loop(0, PER_SUB // K, init, None)
    plsc.subcore_barrier()

    def outer(o, _):
        for b in range(4):
            i = o * 4 + b
            pltpu.async_copy(ones, acc.at[didx.at[i]], sems[b], add=True)
        for b in range(4):
            pltpu.make_async_copy(ones, acc.at[didx.at[0]], sems[b]).wait()
        return _

    lax.fori_loop(0, CHUNKS // 4, outer, None)
    plsc.subcore_barrier()

    def out(j, _):
        off = s * PER_SUB + j * K
        pltpu.sync_copy(acc.at[pl.ds(off, K)], ones)
        pltpu.sync_copy(ones, out_hbm.at[pl.ds(c * NPAD + off, K)])
        return _

    lax.fori_loop(0, PER_SUB // K, out, None)


KE = 80
ECHUNKS = E_TILE // KE


def _make_scatter():
    @functools.partial(
        pl.kernel,
        out_type=jax.ShapeDtypeStruct((NC, NPAD, D_HID), jnp.float32),
        mesh=_mesh(),
        scratch_types=[
            pltpu.VMEM((KE,), jnp.int32),
            pltpu.VMEM((KE,), jnp.int32),
            pltpu.VMEM((KE, D_HID), jnp.float32),
            pltpu.VMEM_SHARED((NPAD, D_HID), jnp.float32),
            pltpu.SemaphoreType.DMA,
        ],
    )
    def scatter_kernel(y_hbm, src_hbm, dst_hbm, out_hbm, sidx, didx, rows, acc, sem):
        c = lax.axis_index("c")
        s = lax.axis_index("s")
        wid = c * NS + s

        def zero(i, _):
            r = i // (D_HID // _LANES)
            col = (i % (D_HID // _LANES)) * _LANES
            rows[r, pl.ds(col, _LANES)] = jnp.zeros((_LANES,), jnp.float32)
            return _

        lax.fori_loop(0, KE * D_HID // _LANES, zero, None)

        def init(j, _):
            pltpu.sync_copy(rows, acc.at[pl.ds(s * PER_SUB + j * KE, KE)])
            return _

        lax.fori_loop(0, PER_SUB // KE, init, None)
        plsc.subcore_barrier()

        def body(i, _):
            base = pl.multiple_of(wid * E_TILE + i * KE, 8)
            pltpu.sync_copy(src_hbm.at[pl.ds(base, KE)], sidx)
            pltpu.sync_copy(dst_hbm.at[pl.ds(base, KE)], didx)
            pltpu.async_copy(y_hbm.at[sidx], rows, sem).wait()
            pltpu.sync_copy(rows, acc.at[didx], add=True)
            return _

        lax.fori_loop(0, ECHUNKS, body, None)
        plsc.subcore_barrier()

        def out(j, _):
            off = s * PER_SUB + j * KE
            pltpu.sync_copy(acc.at[pl.ds(off, KE)], rows)
            pltpu.sync_copy(rows, out_hbm.at[c, pl.ds(off, KE)])
            return _

        lax.fori_loop(0, PER_SUB // KE, out, None)

    return scatter_kernel


_scatter = _make_scatter()


_R = 2000


def _dinv_of(degp):
    return lax.rsqrt(degp[0] + degp[1] - 1.0)


def _t1_body(x_ref, w_ref, degp_ref, y_ref):
    dinv = _dinv_of(degp_ref[...])
    y_ref[...] = dinv * jnp.dot(
        x_ref[...], w_ref[...], preferred_element_type=jnp.float32
    )


def _t2_body(s_ref, y1_ref, degp_ref, b1_ref, w2_ref, y2_ref):
    dinv = _dinv_of(degp_ref[...])
    sblk = s_ref[...]
    h = jnp.maximum(dinv * (sblk[0] + sblk[1] + y1_ref[...]) + b1_ref[...], 0.0)
    y2_ref[...] = dinv * jnp.dot(h, w2_ref[...], preferred_element_type=jnp.float32)


def _t3_body(s_ref, y2_ref, degp_ref, b2_ref, o_ref):
    dinv = _dinv_of(degp_ref[...])
    sblk = s_ref[...]
    tot = (sblk[0] + sblk[1] + y2_ref[...])[:, :D_OUT]
    o_ref[...] = jnp.maximum(dinv * tot + b2_ref[...], 0.0)


def _row_spec(d):
    return pl.BlockSpec((_R, d), lambda i: (i, 0))


def _slab_spec(d):
    return pl.BlockSpec((NC, _R, d), lambda i: (0, i, 0))


def _full_spec(a, b):
    return pl.BlockSpec((a, b), lambda i: (0, 0))


_t1 = pl.pallas_call(
    _t1_body,
    grid=(N // _R,),
    in_specs=[_row_spec(D_IN), _full_spec(D_IN, D_HID), _slab_spec(1)],
    out_specs=_row_spec(D_HID),
    out_shape=jax.ShapeDtypeStruct((N, D_HID), jnp.float32),
)

_t2 = pl.pallas_call(
    _t2_body,
    grid=(N // _R,),
    in_specs=[
        _slab_spec(D_HID),
        _row_spec(D_HID),
        _slab_spec(1),
        _full_spec(1, D_HID),
        _full_spec(D_HID, D_HID),
    ],
    out_specs=_row_spec(D_HID),
    out_shape=jax.ShapeDtypeStruct((N, D_HID), jnp.float32),
)

_t3 = pl.pallas_call(
    _t3_body,
    grid=(N // _R,),
    in_specs=[_slab_spec(D_HID), _row_spec(D_HID), _slab_spec(1), _full_spec(1, D_OUT)],
    out_specs=_row_spec(D_OUT),
    out_shape=jax.ShapeDtypeStruct((N, D_OUT), jnp.float32),
)


_K_REAL = E // (NW * CHUNKS)


def _chunk32(v, fill):
    v3 = v.reshape(NW, CHUNKS, _K_REAL)
    return jnp.pad(
        v3, ((0, 0), (0, 1), (0, K - _K_REAL)), constant_values=fill
    )


def kernel(x, edge_index, W1, b1, W2, b2):
    ei = edge_index.astype(jnp.int32)
    src, dst = ei[0], ei[1]
    dstr = _chunk32(dst, DST_PAD)

    degp = _deg_kernel(dstr).reshape(NC, NPAD)
    degp3 = degp[:, :, None]

    W2p = jnp.pad(W2, ((0, 0), (0, D_HID - D_OUT)))

    y1 = _t1(x, W1, degp3)
    s1 = _scatter(y1, src, dst)
    y2 = _t2(s1, y1, degp3, b1[None, :], W2p)
    s2 = _scatter(y2, src, dst)
    return _t3(s2, y2, degp3, b2[None, :])

# --- scband reference (transcript-rebuilt; emitter-appended) ---
"""Pipeline reference for scband-gnnmodel-1331439862107 (READ-ONLY COPY).

The authoritative reference and input builder live on the scoring server;
editing this copy changes nothing except your own understanding.
"""

import jax, jax.numpy as jnp
import numpy as np

N_NODES = 10000
N_EDGES = 320000
D_IN = 128
D_HID = 128
D_OUT = 64


def setup_inputs(seed: int = 0) -> dict:
    key = jax.random.key(seed)
    k1, k2, k3, k4, k5, k6 = jax.random.split(key, 6)
    x = jax.random.normal(k1, (N_NODES, D_IN), dtype=jnp.float32)
    edge_index = jax.random.randint(k2, (2, N_EDGES), 0, N_NODES, dtype=jnp.int64)
    # GCNConv layer params: weight [in, out] (x @ W convention), bias [out]
    W1 = jax.random.normal(k3, (D_IN, D_HID), dtype=jnp.float32) * (1.0 / np.sqrt(D_IN))
    b1 = jnp.zeros((D_HID,), dtype=jnp.float32)
    W2 = jax.random.normal(k4, (D_HID, D_OUT), dtype=jnp.float32) * (1.0 / np.sqrt(D_HID))
    b2 = jnp.zeros((D_OUT,), dtype=jnp.float32)
    return {"x": x, "edge_index": edge_index, "W1": W1, "b1": b1, "W2": W2, "b2": b2}


def _gcn_conv(x, src, dst, W, b, n_nodes):
    # PyG GCNConv semantics: add self-loops, symmetric normalization, sum aggregation, bias.
    loop = jnp.arange(n_nodes, dtype=src.dtype)
    src_f = jnp.concatenate([src, loop])
    dst_f = jnp.concatenate([dst, loop])
    xw = x @ W
    ones = jnp.ones_like(dst_f, dtype=jnp.float32)
    deg = jnp.zeros((n_nodes,), dtype=jnp.float32).at[dst_f].add(ones)
    dinv = jax.lax.rsqrt(deg)
    norm = dinv[src_f] * dinv[dst_f]
    msgs = jnp.take(xw, src_f, axis=0) * norm[:, None]
    out = jnp.zeros((n_nodes, W.shape[1]), dtype=jnp.float32).at[dst_f].add(msgs)
    return out + b


def reference(x, edge_index, W1, b1, W2, b2):
    src, dst = edge_index[0], edge_index[1]
    h = jax.nn.relu(_gcn_conv(x, src, dst, W1, b1, N_NODES))
    out = jax.nn.relu(_gcn_conv(h, src, dst, W2, b2, N_NODES))
    return out

if __name__ == "__main__":
    import jax
    _d = setup_inputs()
    print(jax.jit(kernel)(*tuple(_d.values())))

</pallas_src>

<mosaic_0001>
#map = affine_map<(d0, d1) -> (0, 0)>
#map1 = affine_map<(d0, d1) -> (0)>
#map2 = affine_map<(d0, d1) -> (0, 0, 0)>
module attributes {stable_mosaic.version = 14 : i64} {
  func.func @scatter_kernel(%arg0: i32, %arg1: i32, %arg2: memref<10000x128xf32, #tpu.memory_space<hbm>>, %arg3: memref<320000xi32, #tpu.memory_space<hbm>>, %arg4: memref<320000xi32, #tpu.memory_space<hbm>>, %arg5: memref<2x10240x128xf32, #tpu.memory_space<hbm>>, %arg6: memref<80xi32, #tpu.memory_space<vmem>>, %arg7: memref<80xi32, #tpu.memory_space<vmem>>, %arg8: memref<80x128xf32, #tpu.memory_space<vmem>>, %arg9: memref<10240x128xf32, #tpu.memory_space<vmem_shared>>, %arg10: memref<!tpu.dma_semaphore, #tpu.memory_space<semaphore_mem>>) attributes {dimension_semantics = [#tpu.dimension_semantics<core_parallel>, #tpu.dimension_semantics<subcore_parallel>], iteration_bounds = array<i64: 2, 16>, scalar_prefetch = 0 : i64, scratch_operands = 5 : i64, tpu.core_type = #tpu.core_type<sc_vector_subcore>, window_params = [{transform_indices = #map}, {transform_indices = #map1}, {transform_indices = #map1}, {transform_indices = #map2}]} {
    %mul3A = arith.constant 16 : i32
    %mul3A_0 = arith.muli %arg0, %mul3A : i32
    %add3A = arith.addi %mul3A_0, %arg1 : i32
    %scan3A = arith.constant 0 : i32
    %scan3A_1 = arith.constant 640 : i32
    %scan3A_2 = arith.addi %scan3A, %scan3A_1 : i32
    %scan3A_3 = arith.constant 1 : i32
    scf.for %scan3A_21 = %scan3A to %scan3A_2 step %scan3A_3  : i32 {
      %jit3A = arith.constant 8 : i32
      %div3A = arith.divsi %scan3A_21, %jit3A : i32
      %sign3A = arith.constant 0 : i32
      %sign3A_22 = arith.cmpi sgt, %scan3A_21, %sign3A : i32
      %sign3A_23 = arith.extui %sign3A_22 : i1 to i32
      %sign3A_24 = arith.constant 0 : i32
      %sign3A_25 = arith.cmpi slt, %scan3A_21, %sign3A_24 : i32
      %sign3A_26 = arith.extui %sign3A_25 : i1 to i32
      %sign3A_27 = arith.subi %sign3A_23, %sign3A_26 : i32
      %sign3A_28 = arith.constant 0 : i32
      %sign3A_29 = arith.cmpi sgt, %jit3A, %sign3A_28 : i32
      %sign3A_30 = arith.extui %sign3A_29 : i1 to i32
      %sign3A_31 = arith.constant 0 : i32
      %sign3A_32 = arith.cmpi slt, %jit3A, %sign3A_31 : i32
      %sign3A_33 = arith.extui %sign3A_32 : i1 to i32
      %sign3A_34 = arith.subi %sign3A_30, %sign3A_33 : i32
      %ne3A = arith.cmpi ne, %sign3A_27, %sign3A_34 : i32
      %rem3A = arith.remsi %scan3A_21, %jit3A : i32
      %ne3A_35 = arith.constant 0 : i32
      %ne3A_36 = arith.cmpi ne, %rem3A, %ne3A_35 : i32
      %and3A = arith.andi %ne3A, %ne3A_36 : i1
      %sub3A = arith.constant 1 : i32
      %sub3A_37 = arith.subi %div3A, %sub3A : i32
      %select_n3A = arith.select %and3A, %sub3A_37, %div3A : i32
      %jit3A_38 = arith.constant 8 : i32
      %eq3A = arith.constant 0 : i32
      %eq3A_39 = arith.cmpi eq, %jit3A_38, %eq3A : i32
      %jit3A_40 = arith.constant 1 : i32
      %select_n3A_41 = arith.select %eq3A_39, %jit3A_40, %jit3A_38 : i32
      %rem3A_42 = arith.remsi %scan3A_21, %select_n3A_41 : i32
      %ne3A_43 = arith.constant 0 : i32
      %ne3A_44 = arith.cmpi ne, %rem3A_42, %ne3A_43 : i32
      %lt3A = arith.constant 0 : i32
      %lt3A_45 = arith.cmpi slt, %rem3A_42, %lt3A : i32
      %lt3A_46 = arith.constant 0 : i32
      %lt3A_47 = arith.cmpi slt, %select_n3A_41, %lt3A_46 : i32
      %ne3A_48 = arith.xori %lt3A_45, %lt3A_47 : i1
      %and3A_49 = arith.andi %ne3A_48, %ne3A_44 : i1
      %add3A_50 = arith.addi %rem3A_42, %select_n3A_41 : i32
      %select_n3A_51 = arith.select %and3A_49, %add3A_50, %rem3A_42 : i32
      %mul3A_52 = arith.constant 16 : i32
      %mul3A_53 = arith.muli %select_n3A_51, %mul3A_52 : i32
      %broadcast_in_dim3A = arith.constant 0.000000e+00 : f32
      %broadcast_in_dim3A_54 = vector.broadcast %broadcast_in_dim3A : f32 to vector<16xf32>
      %swap3A = arith.index_cast %select_n3A : i32 to index
      %swap3A_55 = arith.index_cast %mul3A_53 : i32 to index
      %swap3A_56 = tpu.vector_load %arg8[%swap3A, %swap3A_55] {strides = array<i32>} : memref<80x128xf32, #tpu.memory_space<vmem>>, vector<1x16xf32>,
      %swap3A_57 = vector.shape_cast %swap3A_56 : vector<1x16xf32> to vector<16xf32>
      %swap3A_58 = vector.shape_cast %broadcast_in_dim3A_54 : vector<16xf32> to vector<1x16xf32>
      tpu.vector_store %arg8[%swap3A, %swap3A_55], %swap3A_58 {strides = array<i32>} : memref<80x128xf32, #tpu.memory_space<vmem>>, vector<1x16xf32>,
    }
    %scan3A_4 = arith.constant 640 : i32
    %scan3A_5 = arith.constant 0 : i32
    %scan3A_6 = arith.constant 8 : i32
    %scan3A_7 = arith.addi %scan3A_5, %scan3A_6 : i32
    %scan3A_8 = arith.constant 1 : i32
    scf.for %scan3A_21 = %scan3A_5 to %scan3A_7 step %scan3A_8  : i32 {
      %mul3A_22 = arith.constant 640 : i32
      %mul3A_23 = arith.muli %arg1, %mul3A_22 : i32
      %mul3A_24 = arith.constant 80 : i32
      %mul3A_25 = arith.muli %scan3A_21, %mul3A_24 : i32
      %add3A_26 = arith.addi %mul3A_23, %mul3A_25 : i32
      "tpu.region"() ({
        %run_scoped3A = tpu.sem_alloc : memref<!tpu.dma_semaphore, #tpu.memory_space<semaphore_mem>>
        %dma_start3A = arith.constant 0 : i32
        %dma_start3A_27 = tpu.memref_slice %arg9[%add3A_26, %dma_start3A] : memref<10240x128xf32, #tpu.memory_space<vmem_shared>> -> memref<80x128xf32, #tpu.memory_space<vmem_shared>>
        %dma_start3A_28 = arith.constant 0 : i32
        %dma_start3A_29 = tpu.memref_slice %arg9[%add3A_26, %dma_start3A_28] : memref<10240x128xf32, #tpu.memory_space<vmem_shared>> -> memref<80x128xf32, #tpu.memory_space<vmem_shared>>
        tpu.enqueue_dma source(%arg8 : memref<80x128xf32, #tpu.memory_space<vmem>>) target(%dma_start3A_29 : memref<80x128xf32, #tpu.memory_space<vmem_shared>>) target_semaphore(%run_scoped3A : memref<!tpu.dma_semaphore, #tpu.memory_space<semaphore_mem>>)
        %dma_wait3A = arith.constant 0 : i32
        %dma_wait3A_30 = tpu.memref_slice %arg9[%add3A_26, %dma_wait3A] : memref<10240x128xf32, #tpu.memory_space<vmem_shared>> -> memref<80x128xf32, #tpu.memory_space<vmem_shared>>
        %dma_wait3A_31 = arith.constant 0 : i32
        %dma_wait3A_32 = tpu.memref_slice %arg9[%add3A_26, %dma_wait3A_31] : memref<10240x128xf32, #tpu.memory_space<vmem_shared>> -> memref<80x128xf32, #tpu.memory_space<vmem_shared>>
        tpu.wait_dma2 semaphore(%run_scoped3A : memref<!tpu.dma_semaphore, #tpu.memory_space<semaphore_mem>>) src(%arg8 : memref<80x128xf32, #tpu.memory_space<vmem>>) dst(%dma_wait3A_32 : memref<80x128xf32, #tpu.memory_space<vmem_shared>>)
        tpu.yield
      }) : () -> ()
    }
    %scan3A_9 = arith.constant 8 : i32
    %barrier3A = arith.constant 0 : index
    tpu.barrier barrier_id(%barrier3A)
    %scan3A_10 = arith.constant 0 : i32
    %scan3A_11 = arith.constant 125 : i32
    %scan3A_12 = arith.addi %scan3A_10, %scan3A_11 : i32
    %scan3A_13 = arith.constant 1 : i32
    scf.for %scan3A_21 = %scan3A_10 to %scan3A_12 step %scan3A_13  : i32 {
      %mul3A_22 = arith.constant 10000 : i32
      %mul3A_23 = arith.muli %add3A, %mul3A_22 : i32
      %mul3A_24 = arith.constant 80 : i32
      %mul3A_25 = arith.muli %scan3A_21, %mul3A_24 : i32
      %add3A_26 = arith.addi %mul3A_23, %mul3A_25 : i32
      %multiple_of3A = tpu.assume_multiple %add3A_26, 8 : i32
      "tpu.region"() ({
        %run_scoped3A = tpu.sem_alloc : memref<!tpu.dma_semaphore, #tpu.memory_space<semaphore_mem>>
        %dma_start3A_31 = tpu.memref_slice %arg3[%multiple_of3A] : memref<320000xi32, #tpu.memory_space<hbm>> -> memref<80xi32, #tpu.memory_space<hbm>>
        %dma_start3A_32 = tpu.memref_slice %arg3[%multiple_of3A] : memref<320000xi32, #tpu.memory_space<hbm>> -> memref<80xi32, #tpu.memory_space<hbm>>
        tpu.enqueue_dma source(%dma_start3A_32 : memref<80xi32, #tpu.memory_space<hbm>>) target(%arg6 : memref<80xi32, #tpu.memory_space<vmem>>) target_semaphore(%run_scoped3A : memref<!tpu.dma_semaphore, #tpu.memory_space<semaphore_mem>>)
        %dma_wait3A_33 = tpu.memref_slice %arg3[%multiple_of3A] : memref<320000xi32, #tpu.memory_space<hbm>> -> memref<80xi32, #tpu.memory_space<hbm>>
        %dma_wait3A_34 = tpu.memref_slice %arg3[%multiple_of3A] : memref<320000xi32, #tpu.memory_space<hbm>> -> memref<80xi32, #tpu.memory_space<hbm>>
        tpu.wait_dma2 semaphore(%run_scoped3A : memref<!tpu.dma_semaphore, #tpu.memory_space<semaphore_mem>>) src(%dma_wait3A_34 : memref<80xi32, #tpu.memory_space<hbm>>) dst(%arg6 : memref<80xi32, #tpu.memory_space<vmem>>)
        tpu.yield
      }) : () -> ()
      "tpu.region"() ({
        %run_scoped3A = tpu.sem_alloc : memref<!tpu.dma_semaphore, #tpu.memory_space<semaphore_mem>>
        %dma_start3A_31 = tpu.memref_slice %arg4[%multiple_of3A] : memref<320000xi32, #tpu.memory_space<hbm>> -> memref<80xi32, #tpu.memory_space<hbm>>
        %dma_start3A_32 = tpu.memref_slice %arg4[%multiple_of3A] : memref<320000xi32, #tpu.memory_space<hbm>> -> memref<80xi32, #tpu.memory_space<hbm>>
        tpu.enqueue_dma source(%dma_start3A_32 : memref<80xi32, #tpu.memory_space<hbm>>) target(%arg7 : memref<80xi32, #tpu.memory_space<vmem>>) target_semaphore(%run_scoped3A : memref<!tpu.dma_semaphore, #tpu.memory_space<semaphore_mem>>)
        %dma_wait3A_33 = tpu.memref_slice %arg4[%multiple_of3A] : memref<320000xi32, #tpu.memory_space<hbm>> -> memref<80xi32, #tpu.memory_space<hbm>>
        %dma_wait3A_34 = tpu.memref_slice %arg4[%multiple_of3A] : memref<320000xi32, #tpu.memory_space<hbm>> -> memref<80xi32, #tpu.memory_space<hbm>>
        tpu.wait_dma2 semaphore(%run_scoped3A : memref<!tpu.dma_semaphore, #tpu.memory_space<semaphore_mem>>) src(%dma_wait3A_34 : memref<80xi32, #tpu.memory_space<hbm>>) dst(%arg7 : memref<80xi32, #tpu.memory_space<vmem>>)
        tpu.yield
      }) : () -> ()
      %dma_start3A = arith.constant 0 : i32
      %dma_start3A_27 = arith.constant 0 : i32
      %dma_start3A_28 = tpu.memref_slice %arg2[%dma_start3A, %dma_start3A_27] : memref<10000x128xf32, #tpu.memory_space<hbm>> -> memref<10000x128xf32, #tpu.memory_space<hbm>>
      tpu.enqueue_indirect_dma source(%dma_start3A_28 : memref<10000x128xf32, #tpu.memory_space<hbm>>) target(%arg8 : memref<80x128xf32, #tpu.memory_space<vmem>>) offsets(%arg6 : memref<80xi32, #tpu.memory_space<vmem>>) semaphore(%arg10 : memref<!tpu.dma_semaphore, #tpu.memory_space<semaphore_mem>>)
      %dma_wait3A = arith.constant 0 : i32
      %dma_wait3A_29 = arith.constant 0 : i32
      %dma_wait3A_30 = tpu.memref_slice %arg2[%dma_wait3A, %dma_wait3A_29] : memref<10000x128xf32, #tpu.memory_space<hbm>> -> memref<10000x128xf32, #tpu.memory_space<hbm>>
      tpu.wait_indirect_dma semaphore(%arg10 : memref<!tpu.dma_semaphore, #tpu.memory_space<semaphore_mem>>) src(%dma_wait3A_30 : memref<10000x128xf32, #tpu.memory_space<hbm>>) dst(%arg8 : memref<80x128xf32, #tpu.memory_space<vmem>>)
      "tpu.region"() ({
        %run_scoped3A = tpu.sem_alloc : memref<!tpu.dma_semaphore, #tpu.memory_space<semaphore_mem>>
        %dma_start3A_31 = arith.constant 0 : i32
        %dma_start3A_32 = arith.constant 0 : i32
        %dma_start3A_33 = tpu.memref_slice %arg9[%dma_start3A_31, %dma_start3A_32] : memref<10240x128xf32, #tpu.memory_space<vmem_shared>> -> memref<10240x128xf32, #tpu.memory_space<vmem_shared>>
        tpu.enqueue_indirect_dma source(%arg8 : memref<80x128xf32, #tpu.memory_space<vmem>>) target(%dma_start3A_33 : memref<10240x128xf32, #tpu.memory_space<vmem_shared>>) offsets(%arg7 : memref<80xi32, #tpu.memory_space<vmem>>) semaphore(%run_scoped3A : memref<!tpu.dma_semaphore, #tpu.memory_space<semaphore_mem>>) {add = true}
        %dma_wait3A_34 = arith.constant 0 : i32
        %dma_wait3A_35 = arith.constant 0 : i32
        %dma_wait3A_36 = tpu.memref_slice %arg9[%dma_wait3A_34, %dma_wait3A_35] : memref<10240x128xf32, #tpu.memory_space<vmem_shared>> -> memref<10240x128xf32, #tpu.memory_space<vmem_shared>>
        tpu.wait_indirect_dma semaphore(%run_scoped3A : memref<!tpu.dma_semaphore, #tpu.memory_space<semaphore_mem>>) src(%arg8 : memref<80x128xf32, #tpu.memory_space<vmem>>) dst(%dma_wait3A_36 : memref<10240x128xf32, #tpu.memory_space<vmem_shared>>)
        tpu.yield
      }) : () -> ()
    }
    %scan3A_14 = arith.constant 125 : i32
    %barrier3A_15 = arith.constant 0 : index
    tpu.barrier barrier_id(%barrier3A_15)
    %scan3A_16 = arith.constant 0 : i32
    %scan3A_17 = arith.constant 8 : i32
    %scan3A_18 = arith.addi %scan3A_16, %scan3A_17 : i32
    %scan3A_19 = arith.constant 1 : i32
    scf.for %scan3A_21 = %scan3A_16 to %scan3A_18 step %scan3A_19  : i32 {
      %mul3A_22 = arith.constant 640 : i32
      %mul3A_23 = arith.muli %arg1, %mul3A_22 : i32
      %mul3A_24 = arith.constant 80 : i32
      %mul3A_25 = arith.muli %scan3A_21, %mul3A_24 : i32
      %add3A_26 = arith.addi %mul3A_23, %mul3A_25 : i32
      "tpu.region"() ({
        %run_scoped3A = tpu.sem_alloc : memref<!tpu.dma_semaphore, #tpu.memory_space<semaphore_mem>>
        %dma_start3A = arith.constant 0 : i32
        %dma_start3A_27 = tpu.memref_slice %arg9[%add3A_26, %dma_start3A] : memref<10240x128xf32, #tpu.memory_space<vmem_shared>> -> memref<80x128xf32, #tpu.memory_space<vmem_shared>>
        %dma_start3A_28 = arith.constant 0 : i32
        %dma_start3A_29 = tpu.memref_slice %arg9[%add3A_26, %dma_start3A_28] : memref<10240x128xf32, #tpu.memory_space<vmem_shared>> -> memref<80x128xf32, #tpu.memory_space<vmem_shared>>
        tpu.enqueue_dma source(%dma_start3A_29 : memref<80x128xf32, #tpu.memory_space<vmem_shared>>) target(%arg8 : memref<80x128xf32, #tpu.memory_space<vmem>>) target_semaphore(%run_scoped3A : memref<!tpu.dma_semaphore, #tpu.memory_space<semaphore_mem>>)
        %dma_wait3A = arith.constant 0 : i32
        %dma_wait3A_30 = tpu.memref_slice %arg9[%add3A_26, %dma_wait3A] : memref<10240x128xf32, #tpu.memory_space<vmem_shared>> -> memref<80x128xf32, #tpu.memory_space<vmem_shared>>
        %dma_wait3A_31 = arith.constant 0 : i32
        %dma_wait3A_32 = tpu.memref_slice %arg9[%add3A_26, %dma_wait3A_31] : memref<10240x128xf32, #tpu.memory_space<vmem_shared>> -> memref<80x128xf32, #tpu.memory_space<vmem_shared>>
        tpu.wait_dma2 semaphore(%run_scoped3A : memref<!tpu.dma_semaphore, #tpu.memory_space<semaphore_mem>>) src(%dma_wait3A_32 : memref<80x128xf32, #tpu.memory_space<vmem_shared>>) dst(%arg8 : memref<80x128xf32, #tpu.memory_space<vmem>>)
        tpu.yield
      }) : () -> ()
      "tpu.region"() ({
        %run_scoped3A = tpu.sem_alloc : memref<!tpu.dma_semaphore, #tpu.memory_space<semaphore_mem>>
        %dma_start3A = arith.constant 0 : i32
        %dma_start3A_27 = tpu.memref_slice %arg5[%arg0, %add3A_26, %dma_start3A] : memref<2x10240x128xf32, #tpu.memory_space<hbm>> -> memref<1x80x128xf32, #tpu.memory_space<hbm>>
        %dma_start3A_28 = tpu.memref_squeeze %dma_start3A_27 : memref<1x80x128xf32, #tpu.memory_space<hbm>> -> memref<80x128xf32, #tpu.memory_space<hbm>>
        %dma_start3A_29 = arith.constant 0 : i32
        %dma_start3A_30 = tpu.memref_slice %arg5[%arg0, %add3A_26, %dma_start3A_29] : memref<2x10240x128xf32, #tpu.memory_space<hbm>> -> memref<1x80x128xf32, #tpu.memory_space<hbm>>
        %dma_start3A_31 = tpu.memref_squeeze %dma_start3A_30 : memref<1x80x128xf32, #tpu.memory_space<hbm>> -> memref<80x128xf32, #tpu.memory_space<hbm>>
        tpu.enqueue_dma source(%arg8 : memref<80x128xf32, #tpu.memory_space<vmem>>) target(%dma_start3A_31 : memref<80x128xf32, #tpu.memory_space<hbm>>) target_semaphore(%run_scoped3A : memref<!tpu.dma_semaphore, #tpu.memory_space<semaphore_mem>>)
        %dma_wait3A = arith.constant 0 : i32
        %dma_wait3A_32 = tpu.memref_slice %arg5[%arg0, %add3A_26, %dma_wait3A] : memref<2x10240x128xf32, #tpu.memory_space<hbm>> -> memref<1x80x128xf32, #tpu.memory_space<hbm>>
        %dma_wait3A_33 = tpu.memref_squeeze %dma_wait3A_32 : memref<1x80x128xf32, #tpu.memory_space<hbm>> -> memref<80x128xf32, #tpu.memory_space<hbm>>
        %dma_wait3A_34 = arith.constant 0 : i32
        %dma_wait3A_35 = tpu.memref_slice %arg5[%arg0, %add3A_26, %dma_wait3A_34] : memref<2x10240x128xf32, #tpu.memory_space<hbm>> -> memref<1x80x128xf32, #tpu.memory_space<hbm>>
        %dma_wait3A_36 = tpu.memref_squeeze %dma_wait3A_35 : memref<1x80x128xf32, #tpu.memory_space<hbm>> -> memref<80x128xf32, #tpu.memory_space<hbm>>
        tpu.wait_dma2 semaphore(%run_scoped3A : memref<!tpu.dma_semaphore, #tpu.memory_space<semaphore_mem>>) src(%arg8 : memref<80x128xf32, #tpu.memory_space<vmem>>) dst(%dma_wait3A_36 : memref<80x128xf32, #tpu.memory_space<hbm>>)
        tpu.yield
      }) : () -> ()
    }
    %scan3A_20 = arith.constant 8 : i32
    return
  }
}

#map = affine_map<(d0, d1) -> (0, 0, 0)>
#map1 = affine_map<(d0, d1) -> (0)>
module attributes {stable_mosaic.version = 14 : i64} {
  func.func @_deg_kernel(%arg0: i32, %arg1: i32, %arg2: memref<32x81x128xi32, #tpu.memory_space<hbm>>, %arg3: memref<20480xf32, #tpu.memory_space<hbm>>, %arg4: memref<81x128xi32, #tpu.memory_space<vmem>>, %arg5: memref<128xf32, #tpu.memory_space<vmem>>, %arg6: memref<10240xf32, #tpu.memory_space<vmem_shared>>, %arg7: memref<!tpu.dma_semaphore, #tpu.memory_space<semaphore_mem>>, %arg8: memref<!tpu.dma_semaphore, #tpu.memory_space<semaphore_mem>>, %arg9: memref<!tpu.dma_semaphore, #tpu.memory_space<semaphore_mem>>, %arg10: memref<!tpu.dma_semaphore, #tpu.memory_space<semaphore_mem>>) attributes {dimension_semantics = [#tpu.dimension_semantics<core_parallel>, #tpu.dimension_semantics<subcore_parallel>], iteration_bounds = array<i64: 2, 16>, scalar_prefetch = 0 : i64, scratch_operands = 7 : i64, tpu.core_type = #tpu.core_type<sc_vector_subcore>, window_params = [{transform_indices = #map}, {transform_indices = #map1}]} {
    %mul3A = arith.constant 16 : i32
    %mul3A_0 = arith.muli %arg0, %mul3A : i32
    %add3A = arith.addi %mul3A_0, %arg1 : i32
    "tpu.region"() ({
      %run_scoped3A = tpu.sem_alloc : memref<!tpu.dma_semaphore, #tpu.memory_space<semaphore_mem>>
      %dma_start3A = arith.constant 0 : i32
      %dma_start3A_21 = arith.constant 0 : i32
      %dma_start3A_22 = tpu.memref_slice %arg2[%add3A, %dma_start3A, %dma_start3A_21] : memref<32x81x128xi32, #tpu.memory_space<hbm>> -> memref<1x81x128xi32, #tpu.memory_space<hbm>>
      %dma_start3A_23 = tpu.memref_squeeze %dma_start3A_22 : memref<1x81x128xi32, #tpu.memory_space<hbm>> -> memref<81x128xi32, #tpu.memory_space<hbm>>
      %dma_start3A_24 = arith.constant 0 : i32
      %dma_start3A_25 = arith.constant 0 : i32
      %dma_start3A_26 = tpu.memref_slice %arg2[%add3A, %dma_start3A_24, %dma_start3A_25] : memref<32x81x128xi32, #tpu.memory_space<hbm>> -> memref<1x81x128xi32, #tpu.memory_space<hbm>>
      %dma_start3A_27 = tpu.memref_squeeze %dma_start3A_26 : memref<1x81x128xi32, #tpu.memory_space<hbm>> -> memref<81x128xi32, #tpu.memory_space<hbm>>
      tpu.enqueue_dma source(%dma_start3A_27 : memref<81x128xi32, #tpu.memory_space<hbm>>) target(%arg4 : memref<81x128xi32, #tpu.memory_space<vmem>>) target_semaphore(%run_scoped3A : memref<!tpu.dma_semaphore, #tpu.memory_space<semaphore_mem>>)
      %dma_wait3A = arith.constant 0 : i32
      %dma_wait3A_28 = arith.constant 0 : i32
      %dma_wait3A_29 = tpu.memref_slice %arg2[%add3A, %dma_wait3A, %dma_wait3A_28] : memref<32x81x128xi32, #tpu.memory_space<hbm>> -> memref<1x81x128xi32, #tpu.memory_space<hbm>>
      %dma_wait3A_30 = tpu.memref_squeeze %dma_wait3A_29 : memref<1x81x128xi32, #tpu.memory_space<hbm>> -> memref<81x128xi32, #tpu.memory_space<hbm>>
      %dma_wait3A_31 = arith.constant 0 : i32
      %dma_wait3A_32 = arith.constant 0 : i32
      %dma_wait3A_33 = tpu.memref_slice %arg2[%add3A, %dma_wait3A_31, %dma_wait3A_32] : memref<32x81x128xi32, #tpu.memory_space<hbm>> -> memref<1x81x128xi32, #tpu.memory_space<hbm>>
      %dma_wait3A_34 = tpu.memref_squeeze %dma_wait3A_33 : memref<1x81x128xi32, #tpu.memory_space<hbm>> -> memref<81x128xi32, #tpu.memory_space<hbm>>
      tpu.wait_dma2 semaphore(%run_scoped3A : memref<!tpu.dma_semaphore, #tpu.memory_space<semaphore_mem>>) src(%dma_wait3A_34 : memref<81x128xi32, #tpu.memory_space<hbm>>) dst(%arg4 : memref<81x128xi32, #tpu.memory_space<vmem>>)
      tpu.yield
    }) : () -> ()
    %scan3A = arith.constant 0 : i32
    %scan3A_1 = arith.constant 8 : i32
    %scan3A_2 = arith.addi %scan3A, %scan3A_1 : i32
    %scan3A_3 = arith.constant 1 : i32
    scf.for %scan3A_21 = %scan3A to %scan3A_2 step %scan3A_3  : i32 {
      %broadcast_in_dim3A = arith.constant 1.000000e+00 : f32
      %broadcast_in_dim3A_22 = vector.broadcast %broadcast_in_dim3A : f32 to vector<16xf32>
      %mul3A_23 = arith.constant 16 : i32
      %mul3A_24 = arith.muli %scan3A_21, %mul3A_23 : i32
      %swap3A = arith.index_cast %mul3A_24 : i32 to index
      %swap3A_25 = tpu.vector_load %arg5[%swap3A] {strides = array<i32>} : memref<128xf32, #tpu.memory_space<vmem>>, vector<16xf32>,
      %swap3A_26 = vector.shape_cast %swap3A_25 : vector<16xf32> to vector<16xf32>
      %swap3A_27 = vector.shape_cast %broadcast_in_dim3A_22 : vector<16xf32> to vector<16xf32>
      tpu.vector_store %arg5[%swap3A], %swap3A_27 {strides = array<i32>} : memref<128xf32, #tpu.memory_space<vmem>>, vector<16xf32>,
    }
    %scan3A_4 = arith.constant 8 : i32
    %scan3A_5 = arith.constant 0 : i32
    %scan3A_6 = arith.constant 5 : i32
    %scan3A_7 = arith.addi %scan3A_5, %scan3A_6 : i32
    %scan3A_8 = arith.constant 1 : i32
    scf.for %scan3A_21 = %scan3A_5 to %scan3A_7 step %scan3A_8  : i32 {
      %mul3A_22 = arith.constant 640 : i32
      %mul3A_23 = arith.muli %arg1, %mul3A_22 : i32
      %mul3A_24 = arith.constant 128 : i32
      %mul3A_25 = arith.muli %scan3A_21, %mul3A_24 : i32
      %add3A_26 = arith.addi %mul3A_23, %mul3A_25 : i32
      "tpu.region"() ({
        %run_scoped3A = tpu.sem_alloc : memref<!tpu.dma_semaphore, #tpu.memory_space<semaphore_mem>>
        %dma_start3A = tpu.memref_slice %arg6[%add3A_26] : memref<10240xf32, #tpu.memory_space<vmem_shared>> -> memref<128xf32, #tpu.memory_space<vmem_shared>>
        %dma_start3A_27 = tpu.memref_slice %arg6[%add3A_26] : memref<10240xf32, #tpu.memory_space<vmem_shared>> -> memref<128xf32, #tpu.memory_space<vmem_shared>>
        tpu.enqueue_dma source(%arg5 : memref<128xf32, #tpu.memory_space<vmem>>) target(%dma_start3A_27 : memref<128xf32, #tpu.memory_space<vmem_shared>>) target_semaphore(%run_scoped3A : memref<!tpu.dma_semaphore, #tpu.memory_space<semaphore_mem>>)
        %dma_wait3A = tpu.memref_slice %arg6[%add3A_26] : memref<10240xf32, #tpu.memory_space<vmem_shared>> -> memref<128xf32, #tpu.memory_space<vmem_shared>>
        %dma_wait3A_28 = tpu.memref_slice %arg6[%add3A_26] : memref<10240xf32, #tpu.memory_space<vmem_shared>> -> memref<128xf32, #tpu.memory_space<vmem_shared>>
        tpu.wait_dma2 semaphore(%run_scoped3A : memref<!tpu.dma_semaphore, #tpu.memory_space<semaphore_mem>>) src(%arg5 : memref<128xf32, #tpu.memory_space<vmem>>) dst(%dma_wait3A_28 : memref<128xf32, #tpu.memory_space<vmem_shared>>)
        tpu.yield
      }) : () -> ()
    }
    %scan3A_9 = arith.constant 5 : i32
    %barrier3A = arith.constant 0 : index
    tpu.barrier barrier_id(%barrier3A)
    %scan3A_10 = arith.constant 0 : i32
    %scan3A_11 = arith.constant 20 : i32
    %scan3A_12 = arith.addi %scan3A_10, %scan3A_11 : i32
    %scan3A_13 = arith.constant 1 : i32
    scf.for %scan3A_21 = %scan3A_10 to %scan3A_12 step %scan3A_13  : i32 {
      %mul3A_22 = arith.constant 4 : i32
      %mul3A_23 = arith.muli %scan3A_21, %mul3A_22 : i32
      %add3A_24 = arith.constant 0 : i32
      %add3A_25 = arith.addi %mul3A_23, %add3A_24 : i32
      %dma_start3A = arith.constant 0 : i32
      %dma_start3A_26 = tpu.memref_slice %arg4[%add3A_25, %dma_start3A] : memref<81x128xi32, #tpu.memory_space<vmem>> -> memref<1x128xi32, #tpu.memory_space<vmem>>
      %dma_start3A_27 = tpu.memref_squeeze %dma_start3A_26 : memref<1x128xi32, #tpu.memory_space<vmem>> -> memref<128xi32, #tpu.memory_space<vmem>>
      %dma_start3A_28 = arith.constant 0 : i32
      %dma_start3A_29 = tpu.memref_slice %arg6[%dma_start3A_28] : memref<10240xf32, #tpu.memory_space<vmem_shared>> -> memref<10240xf32, #tpu.memory_space<vmem_shared>>
      tpu.enqueue_indirect_dma source(%arg5 : memref<128xf32, #tpu.memory_space<vmem>>) target(%dma_start3A_29 : memref<10240xf32, #tpu.memory_space<vmem_shared>>) offsets(%dma_start3A_27 : memref<128xi32, #tpu.memory_space<vmem>>) semaphore(%arg7 : memref<!tpu.dma_semaphore, #tpu.memory_space<semaphore_mem>>) {add = true}
      %mul3A_30 = arith.constant 4 : i32
      %mul3A_31 = arith.muli %scan3A_21, %mul3A_30 : i32
      %add3A_32 = arith.constant 1 : i32
      %add3A_33 = arith.addi %mul3A_31, %add3A_32 : i32
      %dma_start3A_34 = arith.constant 0 : i32
      %dma_start3A_35 = tpu.memref_slice %arg4[%add3A_33, %dma_start3A_34] : memref<81x128xi32, #tpu.memory_space<vmem>> -> memref<1x128xi32, #tpu.memory_space<vmem>>
      %dma_start3A_36 = tpu.memref_squeeze %dma_start3A_35 : memref<1x128xi32, #tpu.memory_space<vmem>> -> memref<128xi32, #tpu.memory_space<vmem>>
      %dma_start3A_37 = arith.constant 0 : i32
      %dma_start3A_38 = tpu.memref_slice %arg6[%dma_start3A_37] : memref<10240xf32, #tpu.memory_space<vmem_shared>> -> memref<10240xf32, #tpu.memory_space<vmem_shared>>
      tpu.enqueue_indirect_dma source(%arg5 : memref<128xf32, #tpu.memory_space<vmem>>) target(%dma_start3A_38 : memref<10240xf32, #tpu.memory_space<vmem_shared>>) offsets(%dma_start3A_36 : memref<128xi32, #tpu.memory_space<vmem>>) semaphore(%arg8 : memref<!tpu.dma_semaphore, #tpu.memory_space<semaphore_mem>>) {add = true}
      %mul3A_39 = arith.constant 4 : i32
      %mul3A_40 = arith.muli %scan3A_21, %mul3A_39 : i32
      %add3A_41 = arith.constant 2 : i32
      %add3A_42 = arith.addi %mul3A_40, %add3A_41 : i32
      %dma_start3A_43 = arith.constant 0 : i32
      %dma_start3A_44 = tpu.memref_slice %arg4[%add3A_42, %dma_start3A_43] : memref<81x128xi32, #tpu.memory_space<vmem>> -> memref<1x128xi32, #tpu.memory_space<vmem>>
      %dma_start3A_45 = tpu.memref_squeeze %dma_start3A_44 : memref<1x128xi32, #tpu.memory_space<vmem>> -> memref<128xi32, #tpu.memory_space<vmem>>
      %dma_start3A_46 = arith.constant 0 : i32
      %dma_start3A_47 = tpu.memref_slice %arg6[%dma_start3A_46] : memref<10240xf32, #tpu.memory_space<vmem_shared>> -> memref<10240xf32, #tpu.memory_space<vmem_shared>>
      tpu.enqueue_indirect_dma source(%arg5 : memref<128xf32, #tpu.memory_space<vmem>>) target(%dma_start3A_47 : memref<10240xf32, #tpu.memory_space<vmem_shared>>) offsets(%dma_start3A_45 : memref<128xi32, #tpu.memory_space<vmem>>) semaphore(%arg9 : memref<!tpu.dma_semaphore, #tpu.memory_space<semaphore_mem>>) {add = true}
      %mul3A_48 = arith.constant 4 : i32
      %mul3A_49 = arith.muli %scan3A_21, %mul3A_48 : i32
      %add3A_50 = arith.constant 3 : i32
      %add3A_51 = arith.addi %mul3A_49, %add3A_50 : i32
      %dma_start3A_52 = arith.constant 0 : i32
      %dma_start3A_53 = tpu.memref_slice %arg4[%add3A_51, %dma_start3A_52] : memref<81x128xi32, #tpu.memory_space<vmem>> -> memref<1x128xi32, #tpu.memory_space<vmem>>
      %dma_start3A_54 = tpu.memref_squeeze %dma_start3A_53 : memref<1x128xi32, #tpu.memory_space<vmem>> -> memref<128xi32, #tpu.memory_space<vmem>>
      %dma_start3A_55 = arith.constant 0 : i32
      %dma_start3A_56 = tpu.memref_slice %arg6[%dma_start3A_55] : memref<10240xf32, #tpu.memory_space<vmem_shared>> -> memref<10240xf32, #tpu.memory_space<vmem_shared>>
      tpu.enqueue_indirect_dma source(%arg5 : memref<128xf32, #tpu.memory_space<vmem>>) target(%dma_start3A_56 : memref<10240xf32, #tpu.memory_space<vmem_shared>>) offsets(%dma_start3A_54 : memref<128xi32, #tpu.memory_space<vmem>>) semaphore(%arg10 : memref<!tpu.dma_semaphore, #tpu.memory_space<semaphore_mem>>) {add = true}
      %dma_wait3A = arith.constant 0 : i32
      %dma_wait3A_57 = arith.constant 0 : i32
      %dma_wait3A_58 = tpu.memref_slice %arg4[%dma_wait3A, %dma_wait3A_57] : memref<81x128xi32, #tpu.memory_space<vmem>> -> memref<1x128xi32, #tpu.memory_space<vmem>>
      %dma_wait3A_59 = tpu.memref_squeeze %dma_wait3A_58 : memref<1x128xi32, #tpu.memory_space<vmem>> -> memref<128xi32, #tpu.memory_space<vmem>>
      %dma_wait3A_60 = arith.constant 0 : i32
      %dma_wait3A_61 = tpu.memref_slice %arg6[%dma_wait3A_60] : memref<10240xf32, #tpu.memory_space<vmem_shared>> -> memref<10240xf32, #tpu.memory_space<vmem_shared>>
      tpu.wait_indirect_dma semaphore(%arg7 : memref<!tpu.dma_semaphore, #tpu.memory_space<semaphore_mem>>) src(%arg5 : memref<128xf32, #tpu.memory_space<vmem>>) dst(%dma_wait3A_61 : memref<10240xf32, #tpu.memory_space<vmem_shared>>)
      %dma_wait3A_62 = arith.constant 0 : i32
      %dma_wait3A_63 = arith.constant 0 : i32
      %dma_wait3A_64 = tpu.memref_slice %arg4[%dma_wait3A_62, %dma_wait3A_63] : memref<81x128xi32, #tpu.memory_space<vmem>> -> memref<1x128xi32, #tpu.memory_space<vmem>>
      %dma_wait3A_65 = tpu.memref_squeeze %dma_wait3A_64 : memref<1x128xi32, #tpu.memory_space<vmem>> -> memref<128xi32, #tpu.memory_space<vmem>>
      %dma_wait3A_66 = arith.constant 0 : i32
      %dma_wait3A_67 = tpu.memref_slice %arg6[%dma_wait3A_66] : memref<10240xf32, #tpu.memory_space<vmem_shared>> -> memref<10240xf32, #tpu.memory_space<vmem_shared>>
      tpu.wait_indirect_dma semaphore(%arg8 : memref<!tpu.dma_semaphore, #tpu.memory_space<semaphore_mem>>) src(%arg5 : memref<128xf32, #tpu.memory_space<vmem>>) dst(%dma_wait3A_67 : memref<10240xf32, #tpu.memory_space<vmem_shared>>)
      %dma_wait3A_68 = arith.constant 0 : i32
      %dma_wait3A_69 = arith.constant 0 : i32
      %dma_wait3A_70 = tpu.memref_slice %arg4[%dma_wait3A_68, %dma_wait3A_69] : memref<81x128xi32, #tpu.memory_space<vmem>> -> memref<1x128xi32, #tpu.memory_space<vmem>>
      %dma_wait3A_71 = tpu.memref_squeeze %dma_wait3A_70 : memref<1x128xi32, #tpu.memory_space<vmem>> -> memref<128xi32, #tpu.memory_space<vmem>>
      %dma_wait3A_72 = arith.constant 0 : i32
      %dma_wait3A_73 = tpu.memref_slice %arg6[%dma_wait3A_72] : memref<10240xf32, #tpu.memory_space<vmem_shared>> -> memref<10240xf32, #tpu.memory_space<vmem_shared>>
      tpu.wait_indirect_dma semaphore(%arg9 : memref<!tpu.dma_semaphore, #tpu.memory_space<semaphore_mem>>) src(%arg5 : memref<128xf32, #tpu.memory_space<vmem>>) dst(%dma_wait3A_73 : memref<10240xf32, #tpu.memory_space<vmem_shared>>)
      %dma_wait3A_74 = arith.constant 0 : i32
      %dma_wait3A_75 = arith.constant 0 : i32
      %dma_wait3A_76 = tpu.memref_slice %arg4[%dma_wait3A_74, %dma_wait3A_75] : memref<81x128xi32, #tpu.memory_space<vmem>> -> memref<1x128xi32, #tpu.memory_space<vmem>>
      %dma_wait3A_77 = tpu.memref_squeeze %dma_wait3A_76 : memref<1x128xi32, #tpu.memory_space<vmem>> -> memref<128xi32, #tpu.memory_space<vmem>>
      %dma_wait3A_78 = arith.constant 0 : i32
      %dma_wait3A_79 = tpu.memref_slice %arg6[%dma_wait3A_78] : memref<10240xf32, #tpu.memory_space<vmem_shared>> -> memref<10240xf32, #tpu.memory_space<vmem_shared>>
      tpu.wait_indirect_dma semaphore(%arg10 : memref<!tpu.dma_semaphore, #tpu.memory_space<semaphore_mem>>) src(%arg5 : memref<128xf32, #tpu.memory_space<vmem>>) dst(%dma_wait3A_79 : memref<10240xf32, #tpu.memory_space<vmem_shared>>)
    }
    %scan3A_14 = arith.constant 20 : i32
    %barrier3A_15 = arith.constant 0 : index
    tpu.barrier barrier_id(%barrier3A_15)
    %scan3A_16 = arith.constant 0 : i32
    %scan3A_17 = arith.constant 5 : i32
    %scan3A_18 = arith.addi %scan3A_16, %scan3A_17 : i32
    %scan3A_19 = arith.constant 1 : i32
    scf.for %scan3A_21 = %scan3A_16 to %scan3A_18 step %scan3A_19  : i32 {
      %mul3A_22 = arith.constant 640 : i32
      %mul3A_23 = arith.muli %arg1, %mul3A_22 : i32
      %mul3A_24 = arith.constant 128 : i32
      %mul3A_25 = arith.muli %scan3A_21, %mul3A_24 : i32
      %add3A_26 = arith.addi %mul3A_23, %mul3A_25 : i32
      "tpu.region"() ({
        %run_scoped3A = tpu.sem_alloc : memref<!tpu.dma_semaphore, #tpu.memory_space<semaphore_mem>>
        %dma_start3A = tpu.memref_slice %arg6[%add3A_26] : memref<10240xf32, #tpu.memory_space<vmem_shared>> -> memref<128xf32, #tpu.memory_space<vmem_shared>>
        %dma_start3A_30 = tpu.memref_slice %arg6[%add3A_26] : memref<10240xf32, #tpu.memory_space<vmem_shared>> -> memref<128xf32, #tpu.memory_space<vmem_shared>>
        tpu.enqueue_dma source(%dma_start3A_30 : memref<128xf32, #tpu.memory_space<vmem_shared>>) target(%arg5 : memref<128xf32, #tpu.memory_space<vmem>>) target_semaphore(%run_scoped3A : memref<!tpu.dma_semaphore, #tpu.memory_space<semaphore_mem>>)
        %dma_wait3A = tpu.memref_slice %arg6[%add3A_26] : memref<10240xf32, #tpu.memory_space<vmem_shared>> -> memref<128xf32, #tpu.memory_space<vmem_shared>>
        %dma_wait3A_31 = tpu.memref_slice %arg6[%add3A_26] : memref<10240xf32, #tpu.memory_space<vmem_shared>> -> memref<128xf32, #tpu.memory_space<vmem_shared>>
        tpu.wait_dma2 semaphore(%run_scoped3A : memref<!tpu.dma_semaphore, #tpu.memory_space<semaphore_mem>>) src(%dma_wait3A_31 : memref<128xf32, #tpu.memory_space<vmem_shared>>) dst(%arg5 : memref<128xf32, #tpu.memory_space<vmem>>)
        tpu.yield
      }) : () -> ()
      %mul3A_27 = arith.constant 10240 : i32
      %mul3A_28 = arith.muli %arg0, %mul3A_27 : i32
      %add3A_29 = arith.addi %mul3A_28, %add3A_26 : i32
      "tpu.region"() ({
        %run_scoped3A = tpu.sem_alloc : memref<!tpu.dma_semaphore, #tpu.memory_space<semaphore_mem>>
        %dma_start3A = tpu.memref_slice %arg3[%add3A_29] : memref<20480xf32, #tpu.memory_space<hbm>> -> memref<128xf32, #tpu.memory_space<hbm>>
        %dma_start3A_30 = tpu.memref_slice %arg3[%add3A_29] : memref<20480xf32, #tpu.memory_space<hbm>> -> memref<128xf32, #tpu.memory_space<hbm>>
        tpu.enqueue_dma source(%arg5 : memref<128xf32, #tpu.memory_space<vmem>>) target(%dma_start3A_30 : memref<128xf32, #tpu.memory_space<hbm>>) target_semaphore(%run_scoped3A : memref<!tpu.dma_semaphore, #tpu.memory_space<semaphore_mem>>)
        %dma_wait3A = tpu.memref_slice %arg3[%add3A_29] : memref<20480xf32, #tpu.memory_space<hbm>> -> memref<128xf32, #tpu.memory_space<hbm>>
        %dma_wait3A_31 = tpu.memref_slice %arg3[%add3A_29] : memref<20480xf32, #tpu.memory_space<hbm>> -> memref<128xf32, #tpu.memory_space<hbm>>
        tpu.wait_dma2 semaphore(%run_scoped3A : memref<!tpu.dma_semaphore, #tpu.memory_space<semaphore_mem>>) src(%arg5 : memref<128xf32, #tpu.memory_space<vmem>>) dst(%dma_wait3A_31 : memref<128xf32, #tpu.memory_space<hbm>>)
        tpu.yield
      }) : () -> ()
    }
    %scan3A_20 = arith.constant 5 : i32
    return
  }
}

#map = affine_map<(d0, d1) -> (0, 0)>
#map1 = affine_map<(d0, d1) -> (0)>
#map2 = affine_map<(d0, d1) -> (0, 0, 0)>
module attributes {stable_mosaic.version = 14 : i64} {
  func.func @scatter_kernel(%arg0: i32, %arg1: i32, %arg2: memref<10000x128xf32, #tpu.memory_space<hbm>>, %arg3: memref<320000xi32, #tpu.memory_space<hbm>>, %arg4: memref<320000xi32, #tpu.memory_space<hbm>>, %arg5: memref<2x10240x128xf32, #tpu.memory_space<hbm>>, %arg6: memref<80xi32, #tpu.memory_space<vmem>>, %arg7: memref<80xi32, #tpu.memory_space<vmem>>, %arg8: memref<80x128xf32, #tpu.memory_space<vmem>>, %arg9: memref<10240x128xf32, #tpu.memory_space<vmem_shared>>, %arg10: memref<!tpu.dma_semaphore, #tpu.memory_space<semaphore_mem>>) attributes {dimension_semantics = [#tpu.dimension_semantics<core_parallel>, #tpu.dimension_semantics<subcore_parallel>], iteration_bounds = array<i64: 2, 16>, scalar_prefetch = 0 : i64, scratch_operands = 5 : i64, tpu.core_type = #tpu.core_type<sc_vector_subcore>, window_params = [{transform_indices = #map}, {transform_indices = #map1}, {transform_indices = #map1}, {transform_indices = #map2}]} {
    %mul3A = arith.constant 16 : i32
    %mul3A_0 = arith.muli %arg0, %mul3A : i32
    %add3A = arith.addi %mul3A_0, %arg1 : i32
    %scan3A = arith.constant 0 : i32
    %scan3A_1 = arith.constant 640 : i32
    %scan3A_2 = arith.addi %scan3A, %scan3A_1 : i32
    %scan3A_3 = arith.constant 1 : i32
    scf.for %scan3A_21 = %scan3A to %scan3A_2 step %scan3A_3  : i32 {
      %jit3A = arith.constant 8 : i32
      %div3A = arith.divsi %scan3A_21, %jit3A : i32
      %sign3A = arith.constant 0 : i32
      %sign3A_22 = arith.cmpi sgt, %scan3A_21, %sign3A : i32
      %sign3A_23 = arith.extui %sign3A_22 : i1 to i32
      %sign3A_24 = arith.constant 0 : i32
      %sign3A_25 = arith.cmpi slt, %scan3A_21, %sign3A_24 : i32
      %sign3A_26 = arith.extui %sign3A_25 : i1 to i32
      %sign3A_27 = arith.subi %sign3A_23, %sign3A_26 : i32
      %sign3A_28 = arith.constant 0 : i32
      %sign3A_29 = arith.cmpi sgt, %jit3A, %sign3A_28 : i32
      %sign3A_30 = arith.extui %sign3A_29 : i1 to i32
      %sign3A_31 = arith.constant 0 : i32
      %sign3A_32 = arith.cmpi slt, %jit3A, %sign3A_31 : i32
      %sign3A_33 = arith.extui %sign3A_32 : i1 to i32
      %sign3A_34 = arith.subi %sign3A_30, %sign3A_33 : i32
      %ne3A = arith.cmpi ne, %sign3A_27, %sign3A_34 : i32
      %rem3A = arith.remsi %scan3A_21, %jit3A : i32
      %ne3A_35 = arith.constant 0 : i32
      %ne3A_36 = arith.cmpi ne, %rem3A, %ne3A_35 : i32
      %and3A = arith.andi %ne3A, %ne3A_36 : i1
      %sub3A = arith.constant 1 : i32
      %sub3A_37 = arith.subi %div3A, %sub3A : i32
      %select_n3A = arith.select %and3A, %sub3A_37, %div3A : i32
      %jit3A_38 = arith.constant 8 : i32
      %eq3A = arith.constant 0 : i32
      %eq3A_39 = arith.cmpi eq, %jit3A_38, %eq3A : i32
      %jit3A_40 = arith.constant 1 : i32
      %select_n3A_41 = arith.select %eq3A_39, %jit3A_40, %jit3A_38 : i32
      %rem3A_42 = arith.remsi %scan3A_21, %select_n3A_41 : i32
      %ne3A_43 = arith.constant 0 : i32
      %ne3A_44 = arith.cmpi ne, %rem3A_42, %ne3A_43 : i32
      %lt3A = arith.constant 0 : i32
      %lt3A_45 = arith.cmpi slt, %rem3A_42, %lt3A : i32
      %lt3A_46 = arith.constant 0 : i32
      %lt3A_47 = arith.cmpi slt, %select_n3A_41, %lt3A_46 : i32
      %ne3A_48 = arith.xori %lt3A_45, %lt3A_47 : i1
      %and3A_49 = arith.andi %ne3A_48, %ne3A_44 : i1
      %add3A_50 = arith.addi %rem3A_42, %select_n3A_41 : i32
      %select_n3A_51 = arith.select %and3A_49, %add3A_50, %rem3A_42 : i32
      %mul3A_52 = arith.constant 16 : i32
      %mul3A_53 = arith.muli %select_n3A_51, %mul3A_52 : i32
      %broadcast_in_dim3A = arith.constant 0.000000e+00 : f32
      %broadcast_in_dim3A_54 = vector.broadcast %broadcast_in_dim3A : f32 to vector<16xf32>
      %swap3A = arith.index_cast %select_n3A : i32 to index
      %swap3A_55 = arith.index_cast %mul3A_53 : i32 to index
      %swap3A_56 = tpu.vector_load %arg8[%swap3A, %swap3A_55] {strides = array<i32>} : memref<80x128xf32, #tpu.memory_space<vmem>>, vector<1x16xf32>,
      %swap3A_57 = vector.shape_cast %swap3A_56 : vector<1x16xf32> to vector<16xf32>
      %swap3A_58 = vector.shape_cast %broadcast_in_dim3A_54 : vector<16xf32> to vector<1x16xf32>
      tpu.vector_store %arg8[%swap3A, %swap3A_55], %swap3A_58 {strides = array<i32>} : memref<80x128xf32, #tpu.memory_space<vmem>>, vector<1x16xf32>,
    }
    %scan3A_4 = arith.constant 640 : i32
    %scan3A_5 = arith.constant 0 : i32
    %scan3A_6 = arith.constant 8 : i32
    %scan3A_7 = arith.addi %scan3A_5, %scan3A_6 : i32
    %scan3A_8 = arith.constant 1 : i32
    scf.for %scan3A_21 = %scan3A_5 to %scan3A_7 step %scan3A_8  : i32 {
      %mul3A_22 = arith.constant 640 : i32
      %mul3A_23 = arith.muli %arg1, %mul3A_22 : i32
      %mul3A_24 = arith.constant 80 : i32
      %mul3A_25 = arith.muli %scan3A_21, %mul3A_24 : i32
      %add3A_26 = arith.addi %mul3A_23, %mul3A_25 : i32
      "tpu.region"() ({
        %run_scoped3A = tpu.sem_alloc : memref<!tpu.dma_semaphore, #tpu.memory_space<semaphore_mem>>
        %dma_start3A = arith.constant 0 : i32
        %dma_start3A_27 = tpu.memref_slice %arg9[%add3A_26, %dma_start3A] : memref<10240x128xf32, #tpu.memory_space<vmem_shared>> -> memref<80x128xf32, #tpu.memory_space<vmem_shared>>
        %dma_start3A_28 = arith.constant 0 : i32
        %dma_start3A_29 = tpu.memref_slice %arg9[%add3A_26, %dma_start3A_28] : memref<10240x128xf32, #tpu.memory_space<vmem_shared>> -> memref<80x128xf32, #tpu.memory_space<vmem_shared>>
        tpu.enqueue_dma source(%arg8 : memref<80x128xf32, #tpu.memory_space<vmem>>) target(%dma_start3A_29 : memref<80x128xf32, #tpu.memory_space<vmem_shared>>) target_semaphore(%run_scoped3A : memref<!tpu.dma_semaphore, #tpu.memory_space<semaphore_mem>>)
        %dma_wait3A = arith.constant 0 : i32
        %dma_wait3A_30 = tpu.memref_slice %arg9[%add3A_26, %dma_wait3A] : memref<10240x128xf32, #tpu.memory_space<vmem_shared>> -> memref<80x128xf32, #tpu.memory_space<vmem_shared>>
        %dma_wait3A_31 = arith.constant 0 : i32
        %dma_wait3A_32 = tpu.memref_slice %arg9[%add3A_26, %dma_wait3A_31] : memref<10240x128xf32, #tpu.memory_space<vmem_shared>> -> memref<80x128xf32, #tpu.memory_space<vmem_shared>>
        tpu.wait_dma2 semaphore(%run_scoped3A : memref<!tpu.dma_semaphore, #tpu.memory_space<semaphore_mem>>) src(%arg8 : memref<80x128xf32, #tpu.memory_space<vmem>>) dst(%dma_wait3A_32 : memref<80x128xf32, #tpu.memory_space<vmem_shared>>)
        tpu.yield
      }) : () -> ()
    }
    %scan3A_9 = arith.constant 8 : i32
    %barrier3A = arith.constant 0 : index
    tpu.barrier barrier_id(%barrier3A)
    %scan3A_10 = arith.constant 0 : i32
    %scan3A_11 = arith.constant 125 : i32
    %scan3A_12 = arith.addi %scan3A_10, %scan3A_11 : i32
    %scan3A_13 = arith.constant 1 : i32
    scf.for %scan3A_21 = %scan3A_10 to %scan3A_12 step %scan3A_13  : i32 {
      %mul3A_22 = arith.constant 10000 : i32
      %mul3A_23 = arith.muli %add3A, %mul3A_22 : i32
      %mul3A_24 = arith.constant 80 : i32
      %mul3A_25 = arith.muli %scan3A_21, %mul3A_24 : i32
      %add3A_26 = arith.addi %mul3A_23, %mul3A_25 : i32
      %multiple_of3A = tpu.assume_multiple %add3A_26, 8 : i32
      "tpu.region"() ({
        %run_scoped3A = tpu.sem_alloc : memref<!tpu.dma_semaphore, #tpu.memory_space<semaphore_mem>>
        %dma_start3A_31 = tpu.memref_slice %arg3[%multiple_of3A] : memref<320000xi32, #tpu.memory_space<hbm>> -> memref<80xi32, #tpu.memory_space<hbm>>
        %dma_start3A_32 = tpu.memref_slice %arg3[%multiple_of3A] : memref<320000xi32, #tpu.memory_space<hbm>> -> memref<80xi32, #tpu.memory_space<hbm>>
        tpu.enqueue_dma source(%dma_start3A_32 : memref<80xi32, #tpu.memory_space<hbm>>) target(%arg6 : memref<80xi32, #tpu.memory_space<vmem>>) target_semaphore(%run_scoped3A : memref<!tpu.dma_semaphore, #tpu.memory_space<semaphore_mem>>)
        %dma_wait3A_33 = tpu.memref_slice %arg3[%multiple_of3A] : memref<320000xi32, #tpu.memory_space<hbm>> -> memref<80xi32, #tpu.memory_space<hbm>>
        %dma_wait3A_34 = tpu.memref_slice %arg3[%multiple_of3A] : memref<320000xi32, #tpu.memory_space<hbm>> -> memref<80xi32, #tpu.memory_space<hbm>>
        tpu.wait_dma2 semaphore(%run_scoped3A : memref<!tpu.dma_semaphore, #tpu.memory_space<semaphore_mem>>) src(%dma_wait3A_34 : memref<80xi32, #tpu.memory_space<hbm>>) dst(%arg6 : memref<80xi32, #tpu.memory_space<vmem>>)
        tpu.yield
      }) : () -> ()
      "tpu.region"() ({
        %run_scoped3A = tpu.sem_alloc : memref<!tpu.dma_semaphore, #tpu.memory_space<semaphore_mem>>
        %dma_start3A_31 = tpu.memref_slice %arg4[%multiple_of3A] : memref<320000xi32, #tpu.memory_space<hbm>> -> memref<80xi32, #tpu.memory_space<hbm>>
        %dma_start3A_32 = tpu.memref_slice %arg4[%multiple_of3A] : memref<320000xi32, #tpu.memory_space<hbm>> -> memref<80xi32, #tpu.memory_space<hbm>>
        tpu.enqueue_dma source(%dma_start3A_32 : memref<80xi32, #tpu.memory_space<hbm>>) target(%arg7 : memref<80xi32, #tpu.memory_space<vmem>>) target_semaphore(%run_scoped3A : memref<!tpu.dma_semaphore, #tpu.memory_space<semaphore_mem>>)
        %dma_wait3A_33 = tpu.memref_slice %arg4[%multiple_of3A] : memref<320000xi32, #tpu.memory_space<hbm>> -> memref<80xi32, #tpu.memory_space<hbm>>
        %dma_wait3A_34 = tpu.memref_slice %arg4[%multiple_of3A] : memref<320000xi32, #tpu.memory_space<hbm>> -> memref<80xi32, #tpu.memory_space<hbm>>
        tpu.wait_dma2 semaphore(%run_scoped3A : memref<!tpu.dma_semaphore, #tpu.memory_space<semaphore_mem>>) src(%dma_wait3A_34 : memref<80xi32, #tpu.memory_space<hbm>>) dst(%arg7 : memref<80xi32, #tpu.memory_space<vmem>>)
        tpu.yield
      }) : () -> ()
      %dma_start3A = arith.constant 0 : i32
      %dma_start3A_27 = arith.constant 0 : i32
      %dma_start3A_28 = tpu.memref_slice %arg2[%dma_start3A, %dma_start3A_27] : memref<10000x128xf32, #tpu.memory_space<hbm>> -> memref<10000x128xf32, #tpu.memory_space<hbm>>
      tpu.enqueue_indirect_dma source(%dma_start3A_28 : memref<10000x128xf32, #tpu.memory_space<hbm>>) target(%arg8 : memref<80x128xf32, #tpu.memory_space<vmem>>) offsets(%arg6 : memref<80xi32, #tpu.memory_space<vmem>>) semaphore(%arg10 : memref<!tpu.dma_semaphore, #tpu.memory_space<semaphore_mem>>)
      %dma_wait3A = arith.constant 0 : i32
      %dma_wait3A_29 = arith.constant 0 : i32
      %dma_wait3A_30 = tpu.memref_slice %arg2[%dma_wait3A, %dma_wait3A_29] : memref<10000x128xf32, #tpu.memory_space<hbm>> -> memref<10000x128xf32, #tpu.memory_space<hbm>>
      tpu.wait_indirect_dma semaphore(%arg10 : memref<!tpu.dma_semaphore, #tpu.memory_space<semaphore_mem>>) src(%dma_wait3A_30 : memref<10000x128xf32, #tpu.memory_space<hbm>>) dst(%arg8 : memref<80x128xf32, #tpu.memory_space<vmem>>)
      "tpu.region"() ({
        %run_scoped3A = tpu.sem_alloc : memref<!tpu.dma_semaphore, #tpu.memory_space<semaphore_mem>>
        %dma_start3A_31 = arith.constant 0 : i32
        %dma_start3A_32 = arith.constant 0 : i32
        %dma_start3A_33 = tpu.memref_slice %arg9[%dma_start3A_31, %dma_start3A_32] : memref<10240x128xf32, #tpu.memory_space<vmem_shared>> -> memref<10240x128xf32, #tpu.memory_space<vmem_shared>>
        tpu.enqueue_indirect_dma source(%arg8 : memref<80x128xf32, #tpu.memory_space<vmem>>) target(%dma_start3A_33 : memref<10240x128xf32, #tpu.memory_space<vmem_shared>>) offsets(%arg7 : memref<80xi32, #tpu.memory_space<vmem>>) semaphore(%run_scoped3A : memref<!tpu.dma_semaphore, #tpu.memory_space<semaphore_mem>>) {add = true}
        %dma_wait3A_34 = arith.constant 0 : i32
        %dma_wait3A_35 = arith.constant 0 : i32
        %dma_wait3A_36 = tpu.memref_slice %arg9[%dma_wait3A_34, %dma_wait3A_35] : memref<10240x128xf32, #tpu.memory_space<vmem_shared>> -> memref<10240x128xf32, #tpu.memory_space<vmem_shared>>
        tpu.wait_indirect_dma semaphore(%run_scoped3A : memref<!tpu.dma_semaphore, #tpu.memory_space<semaphore_mem>>) src(%arg8 : memref<80x128xf32, #tpu.memory_space<vmem>>) dst(%dma_wait3A_36 : memref<10240x128xf32, #tpu.memory_space<vmem_shared>>)
        tpu.yield
      }) : () -> ()
    }
    %scan3A_14 = arith.constant 125 : i32
    %barrier3A_15 = arith.constant 0 : index
    tpu.barrier barrier_id(%barrier3A_15)
    %scan3A_16 = arith.constant 0 : i32
    %scan3A_17 = arith.constant 8 : i32
    %scan3A_18 = arith.addi %scan3A_16, %scan3A_17 : i32
    %scan3A_19 = arith.constant 1 : i32
    scf.for %scan3A_21 = %scan3A_16 to %scan3A_18 step %scan3A_19  : i32 {
      %mul3A_22 = arith.constant 640 : i32
      %mul3A_23 = arith.muli %arg1, %mul3A_22 : i32
      %mul3A_24 = arith.constant 80 : i32
      %mul3A_25 = arith.muli %scan3A_21, %mul3A_24 : i32
      %add3A_26 = arith.addi %mul3A_23, %mul3A_25 : i32
      "tpu.region"() ({
        %run_scoped3A = tpu.sem_alloc : memref<!tpu.dma_semaphore, #tpu.memory_space<semaphore_mem>>
        %dma_start3A = arith.constant 0 : i32
        %dma_start3A_27 = tpu.memref_slice %arg9[%add3A_26, %dma_start3A] : memref<10240x128xf32, #tpu.memory_space<vmem_shared>> -> memref<80x128xf32, #tpu.memory_space<vmem_shared>>
        %dma_start3A_28 = arith.constant 0 : i32
        %dma_start3A_29 = tpu.memref_slice %arg9[%add3A_26, %dma_start3A_28] : memref<10240x128xf32, #tpu.memory_space<vmem_shared>> -> memref<80x128xf32, #tpu.memory_space<vmem_shared>>
        tpu.enqueue_dma source(%dma_start3A_29 : memref<80x128xf32, #tpu.memory_space<vmem_shared>>) target(%arg8 : memref<80x128xf32, #tpu.memory_space<vmem>>) target_semaphore(%run_scoped3A : memref<!tpu.dma_semaphore, #tpu.memory_space<semaphore_mem>>)
        %dma_wait3A = arith.constant 0 : i32
        %dma_wait3A_30 = tpu.memref_slice %arg9[%add3A_26, %dma_wait3A] : memref<10240x128xf32, #tpu.memory_space<vmem_shared>> -> memref<80x128xf32, #tpu.memory_space<vmem_shared>>
        %dma_wait3A_31 = arith.constant 0 : i32
        %dma_wait3A_32 = tpu.memref_slice %arg9[%add3A_26, %dma_wait3A_31] : memref<10240x128xf32, #tpu.memory_space<vmem_shared>> -> memref<80x128xf32, #tpu.memory_space<vmem_shared>>
        tpu.wait_dma2 semaphore(%run_scoped3A : memref<!tpu.dma_semaphore, #tpu.memory_space<semaphore_mem>>) src(%dma_wait3A_32 : memref<80x128xf32, #tpu.memory_space<vmem_shared>>) dst(%arg8 : memref<80x128xf32, #tpu.memory_space<vmem>>)
        tpu.yield
      }) : () -> ()
      "tpu.region"() ({
        %run_scoped3A = tpu.sem_alloc : memref<!tpu.dma_semaphore, #tpu.memory_space<semaphore_mem>>
        %dma_start3A = arith.constant 0 : i32
        %dma_start3A_27 = tpu.memref_slice %arg5[%arg0, %add3A_26, %dma_start3A] : memref<2x10240x128xf32, #tpu.memory_space<hbm>> -> memref<1x80x128xf32, #tpu.memory_space<hbm>>
        %dma_start3A_28 = tpu.memref_squeeze %dma_start3A_27 : memref<1x80x128xf32, #tpu.memory_space<hbm>> -> memref<80x128xf32, #tpu.memory_space<hbm>>
        %dma_start3A_29 = arith.constant 0 : i32
        %dma_start3A_30 = tpu.memref_slice %arg5[%arg0, %add3A_26, %dma_start3A_29] : memref<2x10240x128xf32, #tpu.memory_space<hbm>> -> memref<1x80x128xf32, #tpu.memory_space<hbm>>
        %dma_start3A_31 = tpu.memref_squeeze %dma_start3A_30 : memref<1x80x128xf32, #tpu.memory_space<hbm>> -> memref<80x128xf32, #tpu.memory_space<hbm>>
        tpu.enqueue_dma source(%arg8 : memref<80x128xf32, #tpu.memory_space<vmem>>) target(%dma_start3A_31 : memref<80x128xf32, #tpu.memory_space<hbm>>) target_semaphore(%run_scoped3A : memref<!tpu.dma_semaphore, #tpu.memory_space<semaphore_mem>>)
        %dma_wait3A = arith.constant 0 : i32
        %dma_wait3A_32 = tpu.memref_slice %arg5[%arg0, %add3A_26, %dma_wait3A] : memref<2x10240x128xf32, #tpu.memory_space<hbm>> -> memref<1x80x128xf32, #tpu.memory_space<hbm>>
        %dma_wait3A_33 = tpu.memref_squeeze %dma_wait3A_32 : memref<1x80x128xf32, #tpu.memory_space<hbm>> -> memref<80x128xf32, #tpu.memory_space<hbm>>
        %dma_wait3A_34 = arith.constant 0 : i32
        %dma_wait3A_35 = tpu.memref_slice %arg5[%arg0, %add3A_26, %dma_wait3A_34] : memref<2x10240x128xf32, #tpu.memory_space<hbm>> -> memref<1x80x128xf32, #tpu.memory_space<hbm>>
        %dma_wait3A_36 = tpu.memref_squeeze %dma_wait3A_35 : memref<1x80x128xf32, #tpu.memory_space<hbm>> -> memref<80x128xf32, #tpu.memory_space<hbm>>
        tpu.wait_dma2 semaphore(%run_scoped3A : memref<!tpu.dma_semaphore, #tpu.memory_space<semaphore_mem>>) src(%arg8 : memref<80x128xf32, #tpu.memory_space<vmem>>) dst(%dma_wait3A_36 : memref<80x128xf32, #tpu.memory_space<hbm>>)
        tpu.yield
      }) : () -> ()
    }
    %scan3A_20 = arith.constant 8 : i32
    return
  }
}

module attributes {stable_mosaic.version = 14 : i64} {
  func.func @_t1_body(%arg0: i32, %arg1: memref<2000x128xf32, #tpu.memory_space<vmem>>, %arg2: memref<128x128xf32, #tpu.memory_space<vmem>>, %arg3: memref<2x2000x1xf32, #tpu.memory_space<vmem>>, %arg4: memref<2000x128xf32, #tpu.memory_space<vmem>>) attributes {dimension_semantics = [#tpu.dimension_semantics<arbitrary>], iteration_bounds = array<i64: 5>, scalar_prefetch = 0 : i64, scratch_operands = 0 : i64, tpu.core_type = #tpu.core_type<tc>, window_params = [{transform_indices = @transform_0, window_bounds = array<i64: 2000, 128>}, {pipeline_mode = #tpu.pipeline_mode<synchronous>, transform_indices = @transform_1, window_bounds = array<i64: 128, 128>}, {transform_indices = @transform_2, window_bounds = array<i64: 2, 2000, 1>}, {transform_indices = @transform_3, window_bounds = array<i64: 2000, 128>}]} {
    %get3A = arith.constant 0 : index
    %get3A_0 = arith.constant 0 : index
    %get3A_1 = arith.constant 0 : index
    %get3A_2 = vector.load %arg3[%get3A, %get3A_0, %get3A_1] : memref<2x2000x1xf32, #tpu.memory_space<vmem>>, vector<2x2000x1xf32>
    %slice3A = vector.extract_strided_slice %get3A_2 {offsets = [0, 0, 0], sizes = [1, 2000, 1], strides = [1, 1, 1]} : vector<2x2000x1xf32> to vector<1x2000x1xf32>
    %squeeze3A = vector.shape_cast %slice3A : vector<1x2000x1xf32> to vector<2000x1xf32>
    %slice3A_3 = vector.extract_strided_slice %get3A_2 {offsets = [1, 0, 0], sizes = [1, 2000, 1], strides = [1, 1, 1]} : vector<2x2000x1xf32> to vector<1x2000x1xf32>
    %squeeze3A_4 = vector.shape_cast %slice3A_3 : vector<1x2000x1xf32> to vector<2000x1xf32>
    %add3A = arith.addf %squeeze3A, %squeeze3A_4 : vector<2000x1xf32>
    %sub3A = arith.constant 1.000000e+00 : f32
    %sub3A_5 = vector.broadcast %sub3A : f32 to vector<2000x1xf32>
    %sub3A_6 = arith.subf %add3A, %sub3A_5 : vector<2000x1xf32>
    %rsqrt3A = math.rsqrt %sub3A_6 : vector<2000x1xf32>
    %get3A_7 = arith.constant 0 : index
    %get3A_8 = arith.constant 0 : index
    %get3A_9 = vector.load %arg1[%get3A_7, %get3A_8] : memref<2000x128xf32, #tpu.memory_space<vmem>>, vector<2000x128xf32>
    %get3A_10 = arith.constant 0 : index
    %get3A_11 = arith.constant 0 : index
    %get3A_12 = vector.load %arg2[%get3A_10, %get3A_11] : memref<128x128xf32, #tpu.memory_space<vmem>>, vector<128x128xf32>
    %dot_general3A = arith.constant dense<0.000000e+00> : vector<2000x128xf32>
    %dot_general3A_13 = tpu.matmul %get3A_9, %get3A_12, %dot_general3A {dimension_numbers = #tpu.dot_dimension_numbers<[1], [0], [0], [1], [0, 0, 1, 1], [], []>, transpose_lhs_hint = false} : vector<2000x128xf32>, vector<128x128xf32>, vector<2000x128xf32> -> vector<2000x128xf32>
    %mul3A = vector.broadcast %rsqrt3A : vector<2000x1xf32> to vector<2000x128xf32>
    %mul3A_14 = arith.mulf %mul3A, %dot_general3A_13 : vector<2000x128xf32>
    %swap3A = arith.constant 0 : index
    %swap3A_15 = arith.constant 0 : index
    %swap3A_16 = vector.load %arg4[%swap3A, %swap3A_15] : memref<2000x128xf32, #tpu.memory_space<vmem>>, vector<2000x128xf32>
    tpu.vector_store %arg4[%swap3A, %swap3A_15], %mul3A_14 {strides = array<i32>} : memref<2000x128xf32, #tpu.memory_space<vmem>>, vector<2000x128xf32>,
    return
  }
  func.func @transform_0(%arg0: i32) -> (i32, i32) {
    %c0_i32 = arith.constant 0 : i32
    %c0_i32_0 = arith.constant 0 : i32
    return %arg0, %c0_i32 : i32, i32
  }
  func.func @transform_1(%arg0: i32) -> (i32, i32) {
    %c0_i32 = arith.constant 0 : i32
    %c0_i32_0 = arith.constant 0 : i32
    %c0_i32_1 = arith.constant 0 : i32
    return %c0_i32, %c0_i32_0 : i32, i32
  }
  func.func @transform_2(%arg0: i32) -> (i32, i32, i32) {
    %c0_i32 = arith.constant 0 : i32
    %c0_i32_0 = arith.constant 0 : i32
    %c0_i32_1 = arith.constant 0 : i32
    return %c0_i32, %arg0, %c0_i32_0 : i32, i32, i32
  }
  func.func @transform_3(%arg0: i32) -> (i32, i32) {
    %c0_i32 = arith.constant 0 : i32
    %c0_i32_0 = arith.constant 0 : i32
    return %arg0, %c0_i32 : i32, i32
  }
}

module attributes {stable_mosaic.version = 14 : i64} {
  func.func @_t2_body(%arg0: i32, %arg1: memref<2x2000x128xf32, #tpu.memory_space<vmem>>, %arg2: memref<2000x128xf32, #tpu.memory_space<vmem>>, %arg3: memref<2x2000x1xf32, #tpu.memory_space<vmem>>, %arg4: memref<1x128xf32, #tpu.memory_space<vmem>>, %arg5: memref<128x128xf32, #tpu.memory_space<vmem>>, %arg6: memref<2000x128xf32, #tpu.memory_space<vmem>>) attributes {dimension_semantics = [#tpu.dimension_semantics<arbitrary>], iteration_bounds = array<i64: 5>, scalar_prefetch = 0 : i64, scratch_operands = 0 : i64, tpu.core_type = #tpu.core_type<tc>, window_params = [{transform_indices = @transform_0, window_bounds = array<i64: 2, 2000, 128>}, {transform_indices = @transform_1, window_bounds = array<i64: 2000, 128>}, {transform_indices = @transform_2, window_bounds = array<i64: 2, 2000, 1>}, {pipeline_mode = #tpu.pipeline_mode<synchronous>, transform_indices = @transform_3, window_bounds = array<i64: 1, 128>}, {pipeline_mode = #tpu.pipeline_mode<synchronous>, transform_indices = @transform_4, window_bounds = array<i64: 128, 128>}, {transform_indices = @transform_5, window_bounds = array<i64: 2000, 128>}]} {
    %get3A = arith.constant 0 : index
    %get3A_0 = arith.constant 0 : index
    %get3A_1 = arith.constant 0 : index
    %get3A_2 = vector.load %arg3[%get3A, %get3A_0, %get3A_1] : memref<2x2000x1xf32, #tpu.memory_space<vmem>>, vector<2x2000x1xf32>
    %slice3A = vector.extract_strided_slice %get3A_2 {offsets = [0, 0, 0], sizes = [1, 2000, 1], strides = [1, 1, 1]} : vector<2x2000x1xf32> to vector<1x2000x1xf32>
    %squeeze3A = vector.shape_cast %slice3A : vector<1x2000x1xf32> to vector<2000x1xf32>
    %slice3A_3 = vector.extract_strided_slice %get3A_2 {offsets = [1, 0, 0], sizes = [1, 2000, 1], strides = [1, 1, 1]} : vector<2x2000x1xf32> to vector<1x2000x1xf32>
    %squeeze3A_4 = vector.shape_cast %slice3A_3 : vector<1x2000x1xf32> to vector<2000x1xf32>
    %add3A = arith.addf %squeeze3A, %squeeze3A_4 : vector<2000x1xf32>
    %sub3A = arith.constant 1.000000e+00 : f32
    %sub3A_5 = vector.broadcast %sub3A : f32 to vector<2000x1xf32>
    %sub3A_6 = arith.subf %add3A, %sub3A_5 : vector<2000x1xf32>
    %rsqrt3A = math.rsqrt %sub3A_6 : vector<2000x1xf32>
    %get3A_7 = arith.constant 0 : index
    %get3A_8 = arith.constant 0 : index
    %get3A_9 = arith.constant 0 : index
    %get3A_10 = vector.load %arg1[%get3A_7, %get3A_8, %get3A_9] : memref<2x2000x128xf32, #tpu.memory_space<vmem>>, vector<2x2000x128xf32>
    %slice3A_11 = vector.extract_strided_slice %get3A_10 {offsets = [0, 0, 0], sizes = [1, 2000, 128], strides = [1, 1, 1]} : vector<2x2000x128xf32> to vector<1x2000x128xf32>
    %squeeze3A_12 = vector.shape_cast %slice3A_11 : vector<1x2000x128xf32> to vector<2000x128xf32>
    %slice3A_13 = vector.extract_strided_slice %get3A_10 {offsets = [1, 0, 0], sizes = [1, 2000, 128], strides = [1, 1, 1]} : vector<2x2000x128xf32> to vector<1x2000x128xf32>
    %squeeze3A_14 = vector.shape_cast %slice3A_13 : vector<1x2000x128xf32> to vector<2000x128xf32>
    %add3A_15 = arith.addf %squeeze3A_12, %squeeze3A_14 : vector<2000x128xf32>
    %get3A_16 = arith.constant 0 : index
    %get3A_17 = arith.constant 0 : index
    %get3A_18 = vector.load %arg2[%get3A_16, %get3A_17] : memref<2000x128xf32, #tpu.memory_space<vmem>>, vector<2000x128xf32>
    %add3A_19 = arith.addf %add3A_15, %get3A_18 : vector<2000x128xf32>
    %mul3A = vector.broadcast %rsqrt3A : vector<2000x1xf32> to vector<2000x128xf32>
    %mul3A_20 = arith.mulf %mul3A, %add3A_19 : vector<2000x128xf32>
    %get3A_21 = arith.constant 0 : index
    %get3A_22 = arith.constant 0 : index
    %get3A_23 = vector.load %arg4[%get3A_21, %get3A_22] : memref<1x128xf32, #tpu.memory_space<vmem>>, vector<1x128xf32>
    %add3A_24 = vector.broadcast %get3A_23 : vector<1x128xf32> to vector<2000x128xf32>
    %add3A_25 = arith.addf %mul3A_20, %add3A_24 : vector<2000x128xf32>
    %max3A = arith.constant 0.000000e+00 : f32
    %max3A_26 = vector.broadcast %max3A : f32 to vector<2000x128xf32>
    %max3A_27 = arith.maximumf %add3A_25, %max3A_26 : vector<2000x128xf32>
    %get3A_28 = arith.constant 0 : index
    %get3A_29 = arith.constant 0 : index
    %get3A_30 = vector.load %arg5[%get3A_28, %get3A_29] : memref<128x128xf32, #tpu.memory_space<vmem>>, vector<128x128xf32>
    %dot_general3A = arith.constant dense<0.000000e+00> : vector<2000x128xf32>
    %dot_general3A_31 = tpu.matmul %max3A_27, %get3A_30, %dot_general3A {dimension_numbers = #tpu.dot_dimension_numbers<[1], [0], [0], [1], [0, 0, 1, 1], [], []>, transpose_lhs_hint = false} : vector<2000x128xf32>, vector<128x128xf32>, vector<2000x128xf32> -> vector<2000x128xf32>
    %mul3A_32 = vector.broadcast %rsqrt3A : vector<2000x1xf32> to vector<2000x128xf32>
    %mul3A_33 = arith.mulf %mul3A_32, %dot_general3A_31 : vector<2000x128xf32>
    %swap3A = arith.constant 0 : index
    %swap3A_34 = arith.constant 0 : index
    %swap3A_35 = vector.load %arg6[%swap3A, %swap3A_34] : memref<2000x128xf32, #tpu.memory_space<vmem>>, vector<2000x128xf32>
    tpu.vector_store %arg6[%swap3A, %swap3A_34], %mul3A_33 {strides = array<i32>} : memref<2000x128xf32, #tpu.memory_space<vmem>>, vector<2000x128xf32>,
    return
  }
  func.func @transform_0(%arg0: i32) -> (i32, i32, i32) {
    %c0_i32 = arith.constant 0 : i32
    %c0_i32_0 = arith.constant 0 : i32
    %c0_i32_1 = arith.constant 0 : i32
    return %c0_i32, %arg0, %c0_i32_0 : i32, i32, i32
  }
  func.func @transform_1(%arg0: i32) -> (i32, i32) {
    %c0_i32 = arith.constant 0 : i32
    %c0_i32_0 = arith.constant 0 : i32
    return %arg0, %c0_i32 : i32, i32
  }
  func.func @transform_2(%arg0: i32) -> (i32, i32, i32) {
    %c0_i32 = arith.constant 0 : i32
    %c0_i32_0 = arith.constant 0 : i32
    %c0_i32_1 = arith.constant 0 : i32
    return %c0_i32, %arg0, %c0_i32_0 : i32, i32, i32
  }
  func.func @transform_3(%arg0: i32) -> (i32, i32) {
    %c0_i32 = arith.constant 0 : i32
    %c0_i32_0 = arith.constant 0 : i32
    %c0_i32_1 = arith.constant 0 : i32
    return %c0_i32, %c0_i32_0 : i32, i32
  }
  func.func @transform_4(%arg0: i32) -> (i32, i32) {
    %c0_i32 = arith.constant 0 : i32
    %c0_i32_0 = arith.constant 0 : i32
    %c0_i32_1 = arith.constant 0 : i32
    return %c0_i32, %c0_i32_0 : i32, i32
  }
  func.func @transform_5(%arg0: i32) -> (i32, i32) {
    %c0_i32 = arith.constant 0 : i32
    %c0_i32_0 = arith.constant 0 : i32
    return %arg0, %c0_i32 : i32, i32
  }
}

module attributes {stable_mosaic.version = 14 : i64} {
  func.func @_t3_body(%arg0: i32, %arg1: memref<2x2000x128xf32, #tpu.memory_space<vmem>>, %arg2: memref<2000x128xf32, #tpu.memory_space<vmem>>, %arg3: memref<2x2000x1xf32, #tpu.memory_space<vmem>>, %arg4: memref<1x64xf32, #tpu.memory_space<vmem>>, %arg5: memref<2000x64xf32, #tpu.memory_space<vmem>>) attributes {dimension_semantics = [#tpu.dimension_semantics<arbitrary>], iteration_bounds = array<i64: 5>, scalar_prefetch = 0 : i64, scratch_operands = 0 : i64, tpu.core_type = #tpu.core_type<tc>, window_params = [{transform_indices = @transform_0, window_bounds = array<i64: 2, 2000, 128>}, {transform_indices = @transform_1, window_bounds = array<i64: 2000, 128>}, {transform_indices = @transform_2, window_bounds = array<i64: 2, 2000, 1>}, {pipeline_mode = #tpu.pipeline_mode<synchronous>, transform_indices = @transform_3, window_bounds = array<i64: 1, 64>}, {transform_indices = @transform_4, window_bounds = array<i64: 2000, 64>}]} {
    %get3A = arith.constant 0 : index
    %get3A_0 = arith.constant 0 : index
    %get3A_1 = arith.constant 0 : index
    %get3A_2 = vector.load %arg3[%get3A, %get3A_0, %get3A_1] : memref<2x2000x1xf32, #tpu.memory_space<vmem>>, vector<2x2000x1xf32>
    %slice3A = vector.extract_strided_slice %get3A_2 {offsets = [0, 0, 0], sizes = [1, 2000, 1], strides = [1, 1, 1]} : vector<2x2000x1xf32> to vector<1x2000x1xf32>
    %squeeze3A = vector.shape_cast %slice3A : vector<1x2000x1xf32> to vector<2000x1xf32>
    %slice3A_3 = vector.extract_strided_slice %get3A_2 {offsets = [1, 0, 0], sizes = [1, 2000, 1], strides = [1, 1, 1]} : vector<2x2000x1xf32> to vector<1x2000x1xf32>
    %squeeze3A_4 = vector.shape_cast %slice3A_3 : vector<1x2000x1xf32> to vector<2000x1xf32>
    %add3A = arith.addf %squeeze3A, %squeeze3A_4 : vector<2000x1xf32>
    %sub3A = arith.constant 1.000000e+00 : f32
    %sub3A_5 = vector.broadcast %sub3A : f32 to vector<2000x1xf32>
    %sub3A_6 = arith.subf %add3A, %sub3A_5 : vector<2000x1xf32>
    %rsqrt3A = math.rsqrt %sub3A_6 : vector<2000x1xf32>
    %get3A_7 = arith.constant 0 : index
    %get3A_8 = arith.constant 0 : index
    %get3A_9 = arith.constant 0 : index
    %get3A_10 = vector.load %arg1[%get3A_7, %get3A_8, %get3A_9] : memref<2x2000x128xf32, #tpu.memory_space<vmem>>, vector<2x2000x128xf32>
    %slice3A_11 = vector.extract_strided_slice %get3A_10 {offsets = [0, 0, 0], sizes = [1, 2000, 128], strides = [1, 1, 1]} : vector<2x2000x128xf32> to vector<1x2000x128xf32>
    %squeeze3A_12 = vector.shape_cast %slice3A_11 : vector<1x2000x128xf32> to vector<2000x128xf32>
    %slice3A_13 = vector.extract_strided_slice %get3A_10 {offsets = [1, 0, 0], sizes = [1, 2000, 128], strides = [1, 1, 1]} : vector<2x2000x128xf32> to vector<1x2000x128xf32>
    %squeeze3A_14 = vector.shape_cast %slice3A_13 : vector<1x2000x128xf32> to vector<2000x128xf32>
    %add3A_15 = arith.addf %squeeze3A_12, %squeeze3A_14 : vector<2000x128xf32>
    %get3A_16 = arith.constant 0 : index
    %get3A_17 = arith.constant 0 : index
    %get3A_18 = vector.load %arg2[%get3A_16, %get3A_17] : memref<2000x128xf32, #tpu.memory_space<vmem>>, vector<2000x128xf32>
    %add3A_19 = arith.addf %add3A_15, %get3A_18 : vector<2000x128xf32>
    %slice3A_20 = vector.extract_strided_slice %add3A_19 {offsets = [0, 0], sizes = [2000, 64], strides = [1, 1]} : vector<2000x128xf32> to vector<2000x64xf32>
    %mul3A = vector.broadcast %rsqrt3A : vector<2000x1xf32> to vector<2000x64xf32>
    %mul3A_21 = arith.mulf %mul3A, %slice3A_20 : vector<2000x64xf32>
    %get3A_22 = arith.constant 0 : index
    %get3A_23 = arith.constant 0 : index
    %get3A_24 = vector.load %arg4[%get3A_22, %get3A_23] : memref<1x64xf32, #tpu.memory_space<vmem>>, vector<1x64xf32>
    %add3A_25 = vector.broadcast %get3A_24 : vector<1x64xf32> to vector<2000x64xf32>
    %add3A_26 = arith.addf %mul3A_21, %add3A_25 : vector<2000x64xf32>
    %max3A = arith.constant 0.000000e+00 : f32
    %max3A_27 = vector.broadcast %max3A : f32 to vector<2000x64xf32>
    %max3A_28 = arith.maximumf %add3A_26, %max3A_27 : vector<2000x64xf32>
    %swap3A = arith.constant 0 : index
    %swap3A_29 = arith.constant 0 : index
    %swap3A_30 = vector.load %arg5[%swap3A, %swap3A_29] : memref<2000x64xf32, #tpu.memory_space<vmem>>, vector<2000x64xf32>
    tpu.vector_store %arg5[%swap3A, %swap3A_29], %max3A_28 {strides = array<i32>} : memref<2000x64xf32, #tpu.memory_space<vmem>>, vector<2000x64xf32>,
    return
  }
  func.func @transform_0(%arg0: i32) -> (i32, i32, i32) {
    %c0_i32 = arith.constant 0 : i32
    %c0_i32_0 = arith.constant 0 : i32
    %c0_i32_1 = arith.constant 0 : i32
    return %c0_i32, %arg0, %c0_i32_0 : i32, i32, i32
  }
  func.func @transform_1(%arg0: i32) -> (i32, i32) {
    %c0_i32 = arith.constant 0 : i32
    %c0_i32_0 = arith.constant 0 : i32
    return %arg0, %c0_i32 : i32, i32
  }
  func.func @transform_2(%arg0: i32) -> (i32, i32, i32) {
    %c0_i32 = arith.constant 0 : i32
    %c0_i32_0 = arith.constant 0 : i32
    %c0_i32_1 = arith.constant 0 : i32
    return %c0_i32, %arg0, %c0_i32_0 : i32, i32, i32
  }
  func.func @transform_3(%arg0: i32) -> (i32, i32) {
    %c0_i32 = arith.constant 0 : i32
    %c0_i32_0 = arith.constant 0 : i32
    %c0_i32_1 = arith.constant 0 : i32
    return %c0_i32, %c0_i32_0 : i32, i32
  }
  func.func @transform_4(%arg0: i32) -> (i32, i32) {
    %c0_i32 = arith.constant 0 : i32
    %c0_i32_0 = arith.constant 0 : i32
    return %arg0, %c0_i32 : i32, i32
  }
}

</mosaic_0001>

<sc_bundles>
// kernel: kernel.11.cloned.1.call-start
scs
__scs_entry_jumppad:
0x0: {  	(pc) =	sbr.rel $0x88, $3  }
0x1: {  	(tag) =	ssettag $0x0;
	lr =	simm.s32 $0x1  }
0x2: {  	[smem:$0x3F9B] =	sst lr;
	_ =	strace $0xD0000000  }
0x3: {  	_ = 	snop  }
0x4: {  	_ = 	snop  }
0x5: {  	_ = 	snop  }
0x6: {  	_ = 	snop  }
0x7: {  	_ = 	snop  }
__scs_overlays_trampoline_lowered:
0x8: {  	[smem:$0x3FAA] =	sst s0  }
0x9: {  	[smem:$0x3FAB] =	sst s1  }
0xa: {  	[smem:$0x3FAC] =	sst s2  }
0xb: {  	[smem:$0x3FAD] =	sst s3  }
0xc: {  	[smem:$0x3FAE] =	sst s4  }
0xd: {  	[smem:$0x3FAF] =	sst s5  }
0xe: {  	[smem:$0x3FB0] =	sst s6  }
0xf: {  	[smem:$0x3FB1] =	sst s7  }
0x10: {  	[smem:$0x3FB2] =	sst s8  }
0x11: {  	[smem:$0x3FB3] =	sst s9;
	s0 =	simm.s32 @!p0 $0x0  }
0x12: {  	s1 =	sld [smem:$0x3F99];
	s0 =	simm.s32 @p0 $0x1  }
0x13: {  	[smem:$0x3FB4] =	sst s0;
	s0 =	simm.s32 @!p1 $0x0  }
0x14: {  	s2 =	sld [smem:$0x3F98];
	s0 =	simm.s32 @p1 $0x1  }
0x15: {  	[smem:$0x3FB5] =	sst s0;
	s0 =	simm.s32 @!p2 $0x0  }
0x16: {  	s3 =	sld [smem:$0x3FDB];
	s0 =	simm.s32 @p2 $0x1  }
0x17: {  	s4 =	simm.s32 $0x1BF5;
	[smem:$0x3FB7] =	sst s0  }
0x18: {  	s0 =	sld [smem:$0x3F9A];
	_ =	swait.ge [sflag:s4], $0x0  }
0x19: {  	s7 =	sld [smem:$0x3F9B]  }
0x1a: {  	s8 =	sadd.s32 $0xFFFFE003, lr  }
0x1b: {  	s9 =	sadd.s32 $0xFFFFFEF7, lr;
	s5 =	simm.s32 $0xFFFFFFFF;
	p2 =	slt.u32 s8, $0xFFFFF086  }
0x1c: {  	p1 =	slt.u32 s9, $0xF7A;
	s5 =	simm.s32 @!p2 $0x0  }
0x1d: {  	s5 =	simm.s32 @p1 $0x1;
	p0 =	seq.s32 s7, s2  }
0x1e: {  	s7 =	smul.u32 @!p0 $0xF7A, s2;
	p2 =	seq.s32 @!p0 s5, $0x0  }
0x1f: {  	s9 =	smul.u32 $0xF7A, s1;
	s8 =	simm.s32 @!p0 $0x1BF5;
	p2 =	por !p2, p0  }
0x20: {  	[sflag:s8] =	ssyncset.s32 @!p0 $0xFFFFF086;
	s6 =	sadd.s32 @!p0 s3, s7;
	s7 =	simm.s32 @!p0 $0x108  }
0x21: {  	s3 =	sadd.s32 s3, s9;
	s6 =	sadd.s32 @!p0 $0x88, s6;
	s7 =	simm.s32 @p2 $0x1082  }
0x22: {  	[simem:s7], [sflag:s8] =	dma.local @!p0 [hbm:s6], $0xF7A  }
0x23: {  	s9 =	sor.u32 $0xD0000000, s2;
	s6 =	simm.s32 $0x108;
	_ =	swait.ge @!p0 [sflag:s8], $0x0  }
0x24: {  	s3 =	sadd.s32 $0x88, s3;
	s6 =	simm.s32 @!p1 $0x1082;
	[sflag:s4] =	ssyncset.s32 $0xFFFFF086  }
0x25: {  	[simem:s6], [sflag:s4] =	dma.local [hbm:s3], $0xF7A  }
0x26: {  	[smem:$0x3F9B] =	sst s1;
	(tag) =	ssettag s2;
	_ =	strace s9  }
0x27: {  	s1 =	sld [smem:$0x3FAB]  }
0x28: {  	s2 =	sld [smem:$0x3FAC]  }
0x29: {  	s4 =	sld [smem:$0x3FAE]  }
0x2a: {  	p0 =	seq.s32 s5, $0x0;
	s5 =	sld [smem:$0x3FAF]  }
0x2b: {  	s6 =	sld [smem:$0x3FB0]  }
0x2c: {  	s7 =	sld [smem:$0x3FB1]  }
0x2d: {  	s3 =	simm.s32 $0x108;
	s8 =	sld [smem:$0x3FB2]  }
0x2e: {  	s3 =	simm.s32 @!p0 $0x1082;
	s9 =	sld [smem:$0x3FB3]  }
0x2f: {  	lr =	sadd.s32 s0, s3;
	s0 =	sld [smem:$0x3FAA]  }
0x30: {  	s3 =	sld [smem:$0x3FAD]  }
0x31: {  	[smem:$0x3FB6] =	sst s10  }
0x32: {  	s10 =	sld [smem:$0x3FB4];
	_ =	sdelay $0x3  }
0x33: {  	p0 =	seq.s32 s10, $0x1;
	s10 =	sld [smem:$0x3FB6];
	_ =	sdelay $0x3  }
0x34: {  	[smem:$0x3FB6] =	sst s10  }
0x35: {  	s10 =	sld [smem:$0x3FB5];
	_ =	sdelay $0x3  }
0x36: {  	p1 =	seq.s32 s10, $0x1;
	s10 =	sld [smem:$0x3FB6];
	_ =	sdelay $0x3  }
0x37: {  	[smem:$0x3FB6] =	sst s10  }
0x38: {  	s10 =	sld [smem:$0x3FB7]  }
0x39: {  	_ = 	snop;
	(pc) =	sbr.ind lr, $3  }
0x3a: {  	_ = 	snop  }
0x3b: {  	_ = 	snop  }
0x3c: {  	p2 =	seq.s32 s10, $0x1;
	s10 =	sld [smem:$0x3FB6]  }
0x3d: {  	_ =	shalt  }
0x3e: {  	_ =	shalt  }
0x3f: {  	_ =	shalt  }
0x40: {  	_ =	shalt  }
0x41: {  	_ =	shalt  }
0x42: {  	_ =	shalt  }
0x43: {  	_ =	shalt  }
0x44: {  	_ =	shalt  }
0x45: {  	_ =	shalt  }
0x46: {  	_ =	shalt  }
0x47: {  	_ =	shalt  }
0x48: {  	_ =	shalt  }
0x49: {  	_ =	shalt  }
0x4a: {  	_ =	shalt  }
0x4b: {  	_ =	shalt  }
0x4c: {  	_ =	shalt  }
0x4d: {  	_ =	shalt  }
0x4e: {  	_ =	shalt  }
0x4f: {  	_ =	shalt  }
0x50: {  	_ =	shalt  }
0x51: {  	_ =	shalt  }
0x52: {  	_ =	shalt  }
0x53: {  	_ =	shalt  }
0x54: {  	_ =	shalt  }
0x55: {  	_ =	shalt  }
0x56: {  	_ =	shalt  }
0x57: {  	_ =	shalt  }
0x58: {  	_ =	shalt  }
0x59: {  	_ =	shalt  }
0x5a: {  	_ =	shalt  }
0x5b: {  	_ =	shalt  }
0x5c: {  	_ =	shalt  }
0x5d: {  	_ =	shalt  }
0x5e: {  	_ =	shalt  }
0x5f: {  	_ =	shalt  }
0x60: {  	_ =	shalt  }
0x61: {  	_ =	shalt  }
0x62: {  	_ =	shalt  }
0x63: {  	_ =	shalt  }
0x64: {  	_ =	shalt  }
0x65: {  	_ =	shalt  }
0x66: {  	_ =	shalt  }
0x67: {  	_ =	shalt  }
0x68: {  	_ =	shalt  }
0x69: {  	_ =	shalt  }
0x6a: {  	_ =	shalt  }
0x6b: {  	_ =	shalt  }
0x6c: {  	_ =	shalt  }
0x6d: {  	_ =	shalt  }
0x6e: {  	_ =	shalt  }
0x6f: {  	_ =	shalt  }
0x70: {  	_ =	shalt  }
0x71: {  	_ =	shalt  }
0x72: {  	_ =	shalt  }
0x73: {  	_ =	shalt  }
0x74: {  	_ =	shalt  }
0x75: {  	_ =	shalt  }
0x76: {  	_ =	shalt  }
0x77: {  	_ =	shalt  }
0x78: {  	_ =	shalt  }
0x79: {  	_ =	shalt  }
0x7a: {  	_ =	shalt  }
0x7b: {  	_ =	shalt  }
0x7c: {  	_ =	shalt  }
0x7d: {  	_ =	shalt  }
0x7e: {  	_ =	shalt  }
0x7f: {  	_ =	shalt  }
0x80: {  	_ =	shalt  }
0x81: {  	_ =	shalt  }
0x82: {  	_ =	shalt  }
0x83: {  	_ =	shalt  }
0x84: {  	_ =	shalt  }
0x85: {  	_ =	shalt  }
0x86: {  	_ =	shalt  }
0x87: {  	_ =	shalt  }
.Lfunc_end0:
.L_simem_size_0:
called_computation.1_lowered:
.L_overlay_start_0:
0x88: {  	s2 =	sld [smem:$0x3FD9]  }
0x89: {  	s3 =	sld [smem:$0x3FFE];
	_ =	sdelay $0x1  }
0x8a: {  	s1 =	srdreg.scid  }
0x8b: {  	s0 =	sand.u32 $0x1, s1  }
0x8c: {  	s16 =	sshll.u32 s0, $0xA;
	s2 =	sadd.s32 s3, s2  }
0x8d: {  	s2 =	sadd.s32 s2, s16  }
0x8e: {  	[smem:$0x3FC2] =	sst s2  }
0x8f: {  	_ = 	snop  }
0x90: {  	(tm) =	ssettm $0x1  }
0x91: {  	s17 =	sld [smem:$0x3FFB];
	_ =	sdelay $0x3  }
0x92: {  	_ =	strace s17  }
0x93: {  	s2 =	sld [smem:$0x3FFC];
	_ =	sdelay $0x3  }
0x94: {  	_ =	strace s2  }
0x95: {  	s2 =	sld [smem:$0x3FFD];
	_ =	sdelay $0x3  }
0x96: {  	_ =	strace s2  }
0x97: {  	_ =	strace $0x8FFFFFFF  }
0x98: {  	s18 =	sld [smem:$0x3FDB];
	_ =	sdelay $0x1  }
0x99: {  	s19 =	simm.s32 $_scs_section_size  }
0x9a: {  	s4 =	simm.s32 $_size__tile_overlayer_lowered;
	s5 =	simm.s32 $_tile_overlayer_lowered  }
0x9b: {  	s22 =	simm.s32 $0x1BFF;
	s21 =	sshll.u32 s5, $0x1;
	s2 =	sadd.s32 s19, s18  }
0x9c: {  	s6 =	simm.s32 $0x0;
	s20 =	sshll.u32 s4, $0x1;
	s4 =	sadd.s32 s21, s2  }
0x9d: {  	[timem:s6], [sflag:s22] =	dma.local [hbm:s4], s20  }
0x9e: {  	_ =	swait.ge [sflag:s22], s20  }
0x9f: {  	s3 =	ssub.s32 $0x0, s20;
	[sflag:s22] =	ssyncset.done $0x0  }
0xa0: {  	[sflag:s22] =	ssyncadd.s32 s3;
	_ =	sdelay $0x1  }
0xa1: {  	s23 =	simm.s32 $0x1B8B  }
0xa2: {  	_ =	swait.ge [sflag:s23], $0x1  }
0xa3: {  	[sflag:s23] =	ssyncset.done $0x0  }
0xa4: {  	s25 =	simm.s32 $0x1B8E;
	s24 =	sld [smem:$0x3FFE];
	[sflag:s23] =	ssyncadd.s32 $0xFFFFFFFF  }
0xa5: {  	s26 =	simm.s32 $execute0_lowered;
	[smem:$0x3FD2] =	sst s25  }
0xa6: {  	s4 =	sshll.u32 s26, $0x1;
	_ =	strace $0x80000049;
	[dreg:$0x1] =	wrdreg $0xFFFFFFFF  }
0xa7: {  	s28 =	simm.s32 $_size_execute0_lowered;
	s2 =	sadd.s32 s2, s4;
	[dreg:$0x0] =	wrdreg $0x0  }
0xa8: {  	s4 =	sshll.u32 s28, $0x1;
	[dreg:$0x2] =	wrdreg s2  }
0xa9: {  	[dreg:$0x3] =	wrdreg s4  }
0xaa: {  	[dreg:$0x4] =	wrdreg $0xC0  }
0xab: {  	_ =	task [dreg:s6], $0x5FFFF  }
0xac: {  	[dreg:$0x1] =	wrdreg $0xFFFFFFFF  }
0xad: {  	[dreg:$0x0] =	wrdreg $0x60  }
0xae: {  	[dreg:$0x2] =	wrdreg s24  }
0xaf: {  	[dreg:$0x3] =	wrdreg $0x29000  }
0xb0: {  	[dreg:$0x4] =	wrdreg $0x9  }
0xb1: {  	_ =	task.clear_ibuf [dreg:s6], $0x5FFFF;
	_ =	strace $0x90000049  }
0xb2: {  	s29 =	simm.s32 $0x9;
	_ =	strace $0x8000004B  }
0xb3: {  	_ =	swait.ge [sflag:s29], $0x1  }
0xb4: {  	[sflag:s29] =	ssyncadd.s32 $0xFFFFFFFF  }
0xb5: {  	_ =	strace $0x9000004B  }
0xb6: {  	_ =	sfence  }
0xb7: {  	s30 =	sld [smem:$0x0];
	_ =	sdelay $0x2  }
0xb8: {  	s31 =	sshll.u32 s1, $0xD;
	s1 =	sshrl.u32 s1, $0x2  }
0xb9: {  	s3 =	sand.u32 $0x4000, s31;
	s1 =	sadd.s32 s1, s30  }
0xba: {  	s0 =	sor.u32 s3, s0;
	s1 =	sshll.u32 s1, $0x11  }
0xbb: {  	s0 =	sor.u32 s1, s0  }
0xbc: {  	s0 =	sadd.s32 $0x8F2B, s0  }
0xbd: {  	[sflag:s0] =	ssyncadd.remote.s32 $0x1  }
0xbe: {  	_ =	sfence.sel $0xFFFF  }
0xbf: {  	[dreg:$0x0] =	wrdreg $0xFFFFFFFF;
	(pc) =	sbr.abs _section_cstart, $3  }
0xc0: {  	[dreg:$0x1] =	wrdreg $0xFFFFFFFF  }
0xc1: {  	_ =	task.clear_ibuf [dreg:s6], $0x2FFFF;
	_ =	strace $0x9FFFFFFF  }
0xc2: {  	(tm) =	ssettm $0x7FFFFFFF  }
0xc3: {  	_ =	shalt  }
tec
execute0_lowered:
.L_overlay_start_1:
0x0: {  	(tag) =	ssettag $0x1  }
0x1: {  	s0 =	srdreg.scid  }
0x2: {  	s1 =	rddreg [dreg:$0x0];
	s8 =	stileid.u32  }
0x3: {  	s2 =	rddreg [dreg:$0x1];
	s3 =	simm.s32 $0x0;
	s5 =	smul.u32 $0x2710, s8  }
0x4: {  	s28 =	simm.s32 $0x50;
	s29 =	simm.s32 $0x1;
	s6 =	smul.u32 $0x50000, s8  }
0x5: {  	s30 =	simm.s32 $0x0;
	s0 =	sand.u32 $0x1, s0;
	s13 =	smul.u32 $0x14000, s8  }
0x6: {  	[smem:$0x7FF] =	sst s3;
	s4 =	smul.u32 $0x27100, s0;
	s22 =	ssub.s32 $0x2, s0  }
0x7: {  	_ =	strace $0x8000004A;
	s0 =	smul.u32 $0x140000, s0;
	s7 =	sshrl.u32 s22, $0x1  }
0x8: {  	s24 =	sshrl.u32 s6, $0x2;
	s14 =	sor.u32 $0x2800, s13;
	s16 =	sadd.s32 $0x5000, s13  }
0x9: {  	s17 =	sadd.s32 $0x7800, s13;
	s18 =	sadd.s32 $0xA000, s13;
	s19 =	sadd.s32 $0xC800, s13  }
0xa: {  	s20 =	sadd.s32 $0xF000, s13;
	s21 =	sadd.s32 $0x11800, s13;
	s5 =	sadd.s32 s5, s4  }
0xb: {  	s4 =	sadd.s32 $0x66600, s1;
	s7 =	ssub.s32 s22, s7;
	s8 =	sadd.s32 s16, s2  }
0xc: {  	s9 =	sadd.s32 s17, s2;
	s10 =	sadd.s32 s18, s2;
	s11 =	sadd.s32 s19, s2  }
0xd: {  	s12 =	sadd.s32 s20, s2;
	s15 =	sadd.s32 s0, s13;
	s22 =	sadd.s32 s0, s14  }
0xe: {  	s13 =	sadd.s32 s21, s2;
	s16 =	sadd.s32 s0, s16;
	s17 =	sadd.s32 s0, s17  }
0xf: {  	s18 =	sadd.s32 s0, s18;
	s19 =	sadd.s32 s0, s19;
	s20 =	sadd.s32 s0, s20  }
0x10: {  	s0 =	sadd.s32 s0, s21;
	s5 =	sshrl.u32 s5, $0x3;
	s25 =	smax.u32 s7, $0x1  }
0x11: {  	s7 =	sadd.s32 s14, s2;
	s15 =	sshrl.u32 s15, $0x3;
	s31 =	sshrl.u32 s22, $0x3  }
0x12: {  	s16 =	sshrl.u32 s16, $0x3;
	s17 =	sshrl.u32 s17, $0x3;
	s18 =	sshrl.u32 s18, $0x3  }
0x13: {  	s19 =	sshrl.u32 s19, $0x3;
	s20 =	sshrl.u32 s20, $0x3;
	s0 =	sshrl.u32 s0, $0x3  }
0x14: {  	s23 =	sadd.s32 s5, s1;
	s1 =	sadd.s32 $0x8D800, s1;
	s5 =	sadd.s32 s24, s2  }
0x15: {  	[dreg:$0x3] =	wrdreg s25;
	s24 =	simm.s32 $0x100;
	s25 =	simm.s32 $0x2  }
0x16: {  	s26 =	sadd.s32 s1, s15;
	s15 =	sadd.s32 s1, s31;
	s16 =	sadd.s32 s1, s16  }
0x17: {  	s17 =	sadd.s32 s1, s17;
	s18 =	sadd.s32 s1, s18;
	s19 =	sadd.s32 s1, s19  }
0x18: {  	s20 =	sadd.s32 s1, s20;
	s21 =	sadd.s32 s1, s0;
	s22 =	sadd.s32 $0xC800, s23  }
0x19: {  	v0 =	vimm.f32 $0.0e+00;
	s23 =	sadd.s32 $0x2A00, s23;
	[dreg:$0x4] =	wrdreg s26;
	s26 =	simm.s32 $0x80  }
.LBB2_1:
0x1a: {  	s0 =	sand.u32 $0xFE00, s3  }
0x1b: {  	s1 =	sand.u32 $0x70, s3;
	s0 =	sshrl.u32 s0, $0x2  }
0x1c: {  	s31 =	simm.s32 $0x40;
	s0 =	sor.u32 s1, s0;
	s1 =	simm.s32 $0x0  }
.LBB2_2:
0x1d: {  	p0 =	sne.s32 s31, $0x9FC0  }
0x1e: {  	[tilespmem:s0+$0x100] =	vst v0;
	s1 =	sadd.s32 $0x10, s1;
	s0 =	smov.u32 s31;
	s31 =	sadd.s32 $0x40, s31  }
.Ltmp0:
0x1f: {  	(pc) =	sbr.rel @p0 .LBB2_2-.Ltmp0, $4  }
0x20: {  	_ = 	snop  }
0x21: {  	s0 =	sand.u32 $0xFE00, s0  }
0x22: {  	s6 =	sand.u32 $0x70, s1;
	s0 =	sshrl.u32 s0, $0x2  }
0x23: {  	s0 =	sor.u32 s6, s0  }
0x24: {  	[tilespmem:s0+$0x100] =	vst v0  }
0x25: {  	[spmem:s5] =	stream.linear.scatter [tilespmem:s24], [sflag:$0x2], $0x2800, $0x38;
	[tilespmem:$0x16900] =	vst v63  }
0x26: {  	_ =	swait.ge [sflag:s25], $0x2800  }
0x27: {  	[sflag:s25] =	ssyncset.done $0x0  }
0x28: {  	[sflag:s25] =	ssyncadd.s32 $0xFFFFD800  }
0x29: {  	[spmem:s7] =	stream.linear.scatter [tilespmem:s24], [sflag:$0x2], $0x2800, $0x38;
	[tilespmem:$0x16900] =	vst v63  }
0x2a: {  	_ =	swait.ge [sflag:s25], $0x2800  }
0x2b: {  	[sflag:s25] =	ssyncset.done $0x0  }
0x2c: {  	[sflag:s25] =	ssyncadd.s32 $0xFFFFD800  }
0x2d: {  	[spmem:s8] =	stream.linear.scatter [tilespmem:s24], [sflag:$0x2], $0x2800, $0x38;
	[tilespmem:$0x16900] =	vst v63  }
0x2e: {  	_ =	swait.ge [sflag:s25], $0x2800  }
0x2f: {  	[sflag:s25] =	ssyncset.done $0x0  }
0x30: {  	[sflag:s25] =	ssyncadd.s32 $0xFFFFD800  }
0x31: {  	[spmem:s9] =	stream.linear.scatter [tilespmem:s24], [sflag:$0x2], $0x2800, $0x38;
	[tilespmem:$0x16900] =	vst v63  }
0x32: {  	_ =	swait.ge [sflag:s25], $0x2800  }
0x33: {  	[sflag:s25] =	ssyncset.done $0x0  }
0x34: {  	[sflag:s25] =	ssyncadd.s32 $0xFFFFD800  }
0x35: {  	[spmem:s10] =	stream.linear.scatter [tilespmem:s24], [sflag:$0x2], $0x2800, $0x38;
	[tilespmem:$0x16900] =	vst v63  }
0x36: {  	_ =	swait.ge [sflag:s25], $0x2800  }
0x37: {  	[sflag:s25] =	ssyncset.done $0x0  }
0x38: {  	[sflag:s25] =	ssyncadd.s32 $0xFFFFD800  }
0x39: {  	[spmem:s11] =	stream.linear.scatter [tilespmem:s24], [sflag:$0x2], $0x2800, $0x38;
	[tilespmem:$0x16900] =	vst v63  }
0x3a: {  	_ =	swait.ge [sflag:s25], $0x2800  }
0x3b: {  	[sflag:s25] =	ssyncset.done $0x0  }
0x3c: {  	[sflag:s25] =	ssyncadd.s32 $0xFFFFD800  }
0x3d: {  	[spmem:s12] =	stream.linear.scatter [tilespmem:s24], [sflag:$0x2], $0x2800, $0x38;
	[tilespmem:$0x16900] =	vst v63  }
0x3e: {  	_ =	swait.ge [sflag:s25], $0x2800  }
0x3f: {  	[sflag:s25] =	ssyncset.done $0x0  }
0x40: {  	[sflag:s25] =	ssyncadd.s32 $0xFFFFD800  }
0x41: {  	[spmem:s13] =	stream.linear.scatter [tilespmem:s24], [sflag:$0x2], $0x2800, $0x38;
	[tilespmem:$0x16900] =	vst v63  }
0x42: {  	_ =	swait.ge [sflag:s25], $0x2800  }
0x43: {  	[sflag:s25] =	ssyncset.done $0x0  }
0x44: {  	[sflag:s25] =	ssyncadd.s32 $0xFFFFD800  }
0x45: {  	s6 =	sadd.s32 $0x0, s23;
	[bflag:$0x0] =	sbarrier.arrive $0xFFFF  }
0x46: {  	[tilespmem:s3], [sflag:$0x2] =	stream.linear.gather [hbm4b:s6+s3], $0x50, $0x38;
	[tilespmem:$0x16900] =	vst v63  }
0x47: {  	_ =	swait.ge [sflag:s25], $0x50  }
0x48: {  	[sflag:s25] =	ssyncset.done $0x0  }
0x49: {  	s14 =	sadd.s32 $0x0, s22;
	[sflag:s25] =	ssyncadd.s32 $0xFFFFFFB0  }
0x4a: {  	[tilespmem:s26], [sflag:$0x2] =	stream.linear.gather [hbm4b:s14+s3], $0x50, $0x38;
	[tilespmem:$0x16900] =	vst v63  }
0x4b: {  	_ =	swait.ge [sflag:s25], $0x50  }
0x4c: {  	[sflag:s25] =	ssyncset.done $0x0  }
0x4d: {  	[sflag:s25] =	ssyncadd.s32 $0xFFFFFFB0  }
0x4e: {  	[tilespmem:s24], [sflag:$0x1] =	stream.indirect.gather [hbm4b:s4+s28], $0x80, s3, s28, $0xb8;
	[tilespmem:$0x16900] =	vst v63  }
0x4f: {  	_ =	swait.ge [sflag:s29], $0x2800  }
0x50: {  	[sflag:s29] =	ssyncset.done $0x0  }
0x51: {  	[sflag:s29] =	ssyncadd.s32 $0xFFFFD800  }
0x52: {  	[spmem:s2] =	stream.indirect.scatter.add.f32 [tilespmem:s24], [sflag:$0x2], $0x80, s26, s28, $0xb8;
	[tilespmem:$0x16900] =	vst v63  }
0x53: {  	_ =	swait.ge [sflag:s25], $0x2800  }
0x54: {  	s31 =	simm.s32 $0xA;
	s1 =	simm.s32 $0x14;
	[sflag:s25] =	ssyncset.done $0x0  }
.LBB2_4:
0x55: {  	s0 =	sadd.s32 s31, s23  }
0x56: {  	[sflag:s25] =	ssyncadd.s32 $0xFFFFD800;
	s6 =	smov.u32 s1;
	s14 =	sadd.s32 $0xA, s1  }
0x57: {  	[tilespmem:s3], [sflag:$0x2] =	stream.linear.gather [hbm4b:s0+s3], $0x50, $0x38;
	[tilespmem:$0x16900] =	vst v63  }
0x58: {  	p0 =	sne.s32 s1, $0x4D8;
	_ =	swait.ge [sflag:s25], $0x50  }
0x59: {  	[sflag:s25] =	ssyncset.done $0x0  }
0x5a: {  	s0 =	sadd.s32 s31, s22;
	s31 =	smov.u32 s6;
	[sflag:s25] =	ssyncadd.s32 $0xFFFFFFB0  }
0x5b: {  	[tilespmem:s26], [sflag:$0x2] =	stream.linear.gather [hbm4b:s0+s3], $0x50, $0x38;
	[tilespmem:$0x16900] =	vst v63  }
0x5c: {  	_ =	swait.ge [sflag:s25], $0x50  }
0x5d: {  	[sflag:s25] =	ssyncset.done $0x0  }
0x5e: {  	[sflag:s25] =	ssyncadd.s32 $0xFFFFFFB0  }
0x5f: {  	[tilespmem:s24], [sflag:$0x1] =	stream.indirect.gather [hbm4b:s4+s28], $0x80, s3, s28, $0xb8;
	[tilespmem:$0x16900] =	vst v63  }
0x60: {  	_ =	swait.ge [sflag:s29], $0x2800  }
.Ltmp1:
0x61: {  	[sflag:s29] =	ssyncset.done $0x0;
	(pc) =	sbr.rel @p0 .LBB2_4-.Ltmp1, $4  }
0x62: {  	[sflag:s29] =	ssyncadd.s32 $0xFFFFD800  }
0x63: {  	[spmem:s2] =	stream.indirect.scatter.add.f32 [tilespmem:s24], [sflag:$0x2], $0x80, s26, s28, $0xb8;
	[tilespmem:$0x16900] =	vst v63  }
0x64: {  	_ =	swait.ge [sflag:s25], $0x2800  }
0x65: {  	s1 =	smov.u32 s14;
	[sflag:s25] =	ssyncset.done $0x0  }
0x66: {  	s0 =	sadd.s32 s31, s23;
	[sflag:s25] =	ssyncadd.s32 $0xFFFFD800  }
0x67: {  	[tilespmem:s3], [sflag:$0x2] =	stream.linear.gather [hbm4b:s0+s3], $0x50, $0x38;
	[tilespmem:$0x16900] =	vst v63  }
0x68: {  	_ =	swait.ge [sflag:s25], $0x50  }
0x69: {  	[sflag:s25] =	ssyncset.done $0x0  }
0x6a: {  	s6 =	sadd.s32 s31, s22;
	[sflag:s25] =	ssyncadd.s32 $0xFFFFFFB0  }
0x6b: {  	[tilespmem:s26], [sflag:$0x2] =	stream.linear.gather [hbm4b:s6+s3], $0x50, $0x38;
	[tilespmem:$0x16900] =	vst v63  }
0x6c: {  	_ =	swait.ge [sflag:s25], $0x50  }
0x6d: {  	[sflag:s25] =	ssyncset.done $0x0  }
0x6e: {  	[sflag:s25] =	ssyncadd.s32 $0xFFFFFFB0  }
0x6f: {  	[tilespmem:s24], [sflag:$0x1] =	stream.indirect.gather [hbm4b:s4+s28], $0x80, s3, s28, $0xb8;
	[tilespmem:$0x16900] =	vst v63  }
0x70: {  	_ =	swait.ge [sflag:s29], $0x2800  }
0x71: {  	[sflag:s29] =	ssyncset.done $0x0  }
0x72: {  	[sflag:s29] =	ssyncadd.s32 $0xFFFFD800  }
0x73: {  	[spmem:s2] =	stream.indirect.scatter.add.f32 [tilespmem:s24], [sflag:$0x2], $0x80, s26, s28, $0xb8;
	[tilespmem:$0x16900] =	vst v63  }
0x74: {  	_ =	swait.ge [sflag:s25], $0x2800  }
0x75: {  	[sflag:s25] =	ssyncset.done $0x0  }
0x76: {  	[sflag:s25] =	ssyncadd.s32 $0xFFFFD800  }
0x77: {  	[bflag:$0x0] =	sbarrier.arrive $0xFFFF  }
0x78: {  	[tilespmem:s24], [sflag:$0x2] =	stream.linear.gather [spmem:s5], $0x2800, $0x38;
	[tilespmem:$0x16900] =	vst v63  }
0x79: {  	_ =	swait.ge [sflag:s25], $0x2800  }
0x7a: {  	[sflag:s25] =	ssyncset.done $0x0  }
0x7b: {  	s14 =	rddreg [dreg:$0x4];
	[sflag:s25] =	ssyncadd.s32 $0xFFFFD800  }
0x7c: {  	[hbm4b:s14+s3] =	stream.linear.scatter [tilespmem:s24], [sflag:$0x2], $0x2800, $0x38;
	[tilespmem:$0x16900] =	vst v63  }
0x7d: {  	_ =	swait.ge [sflag:s25], $0x2800  }
0x7e: {  	[sflag:s25] =	ssyncset.done $0x0  }
0x7f: {  	[sflag:s25] =	ssyncadd.s32 $0xFFFFD800  }
0x80: {  	[tilespmem:s24], [sflag:$0x2] =	stream.linear.gather [spmem:s7], $0x2800, $0x38;
	[tilespmem:$0x16900] =	vst v63  }
0x81: {  	_ =	swait.ge [sflag:s25], $0x2800  }
0x82: {  	[sflag:s25] =	ssyncset.done $0x0  }
0x83: {  	[sflag:s25] =	ssyncadd.s32 $0xFFFFD800  }
0x84: {  	[hbm4b:s15+s3] =	stream.linear.scatter [tilespmem:s24], [sflag:$0x2], $0x2800, $0x38;
	[tilespmem:$0x16900] =	vst v63  }
0x85: {  	_ =	swait.ge [sflag:s25], $0x2800  }
0x86: {  	[sflag:s25] =	ssyncset.done $0x0  }
0x87: {  	[sflag:s25] =	ssyncadd.s32 $0xFFFFD800  }
0x88: {  	[tilespmem:s24], [sflag:$0x2] =	stream.linear.gather [spmem:s8], $0x2800, $0x38;
	[tilespmem:$0x16900] =	vst v63  }
0x89: {  	_ =	swait.ge [sflag:s25], $0x2800  }
0x8a: {  	[sflag:s25] =	ssyncset.done $0x0  }
0x8b: {  	[sflag:s25] =	ssyncadd.s32 $0xFFFFD800  }
0x8c: {  	[hbm4b:s16+s3] =	stream.linear.scatter [tilespmem:s24], [sflag:$0x2], $0x2800, $0x38;
	[tilespmem:$0x16900] =	vst v63  }
0x8d: {  	_ =	swait.ge [sflag:s25], $0x2800  }
0x8e: {  	[sflag:s25] =	ssyncset.done $0x0  }
0x8f: {  	[sflag:s25] =	ssyncadd.s32 $0xFFFFD800  }
0x90: {  	[tilespmem:s24], [sflag:$0x2] =	stream.linear.gather [spmem:s9], $0x2800, $0x38;
	[tilespmem:$0x16900] =	vst v63  }
0x91: {  	_ =	swait.ge [sflag:s25], $0x2800  }
0x92: {  	[sflag:s25] =	ssyncset.done $0x0  }
0x93: {  	[sflag:s25] =	ssyncadd.s32 $0xFFFFD800  }
0x94: {  	[hbm4b:s17+s3] =	stream.linear.scatter [tilespmem:s24], [sflag:$0x2], $0x2800, $0x38;
	[tilespmem:$0x16900] =	vst v63  }
0x95: {  	_ =	swait.ge [sflag:s25], $0x2800  }
0x96: {  	[sflag:s25] =	ssyncset.done $0x0  }
0x97: {  	[sflag:s25] =	ssyncadd.s32 $0xFFFFD800  }
0x98: {  	[tilespmem:s24], [sflag:$0x2] =	stream.linear.gather [spmem:s10], $0x2800, $0x38;
	[tilespmem:$0x16900] =	vst v63  }
0x99: {  	_ =	swait.ge [sflag:s25], $0x2800  }
0x9a: {  	[sflag:s25] =	ssyncset.done $0x0  }
0x9b: {  	[sflag:s25] =	ssyncadd.s32 $0xFFFFD800  }
0x9c: {  	[hbm4b:s18+s3] =	stream.linear.scatter [tilespmem:s24], [sflag:$0x2], $0x2800, $0x38;
	[tilespmem:$0x16900] =	vst v63  }
0x9d: {  	_ =	swait.ge [sflag:s25], $0x2800  }
0x9e: {  	[sflag:s25] =	ssyncset.done $0x0  }
0x9f: {  	[sflag:s25] =	ssyncadd.s32 $0xFFFFD800  }
0xa0: {  	[tilespmem:s24], [sflag:$0x2] =	stream.linear.gather [spmem:s11], $0x2800, $0x38;
	[tilespmem:$0x16900] =	vst v63  }
0xa1: {  	_ =	swait.ge [sflag:s25], $0x2800  }
0xa2: {  	[sflag:s25] =	ssyncset.done $0x0  }
0xa3: {  	[sflag:s25] =	ssyncadd.s32 $0xFFFFD800  }
0xa4: {  	[hbm4b:s19+s3] =	stream.linear.scatter [tilespmem:s24], [sflag:$0x2], $0x2800, $0x38;
	[tilespmem:$0x16900] =	vst v63  }
0xa5: {  	_ =	swait.ge [sflag:s25], $0x2800  }
0xa6: {  	[sflag:s25] =	ssyncset.done $0x0  }
0xa7: {  	[sflag:s25] =	ssyncadd.s32 $0xFFFFD800  }
0xa8: {  	[tilespmem:s24], [sflag:$0x2] =	stream.linear.gather [spmem:s12], $0x2800, $0x38;
	[tilespmem:$0x16900] =	vst v63  }
0xa9: {  	_ =	swait.ge [sflag:s25], $0x2800  }
0xaa: {  	[sflag:s25] =	ssyncset.done $0x0  }
0xab: {  	[sflag:s25] =	ssyncadd.s32 $0xFFFFD800  }
0xac: {  	[hbm4b:s20+s3] =	stream.linear.scatter [tilespmem:s24], [sflag:$0x2], $0x2800, $0x38;
	[tilespmem:$0x16900] =	vst v63  }
0xad: {  	_ =	swait.ge [sflag:s25], $0x2800  }
0xae: {  	[sflag:s25] =	ssyncset.done $0x0  }
0xaf: {  	[sflag:s25] =	ssyncadd.s32 $0xFFFFD800  }
0xb0: {  	[tilespmem:s24], [sflag:$0x2] =	stream.linear.gather [spmem:s13], $0x2800, $0x38;
	[tilespmem:$0x16900] =	vst v63  }
0xb1: {  	_ =	swait.ge [sflag:s25], $0x2800  }
0xb2: {  	[sflag:s25] =	ssyncset.done $0x0  }
0xb3: {  	[sflag:s25] =	ssyncadd.s32 $0xFFFFD800  }
0xb4: {  	[hbm4b:s21+s3] =	stream.linear.scatter [tilespmem:s24], [sflag:$0x2], $0x2800, $0x38;
	[tilespmem:$0x16900] =	vst v63  }
0xb5: {  	_ =	swait.ge [sflag:s25], $0x2800  }
0xb6: {  	s30 =	sadd.s32 $0x1, s30;
	s31 =	rddreg [dreg:$0x3]  }
0xb7: {  	p0 =	sne.s32 s30, s31  }
.Ltmp2:
0xb8: {  	_ = 	snop;
	(pc) =	sbr.rel @p0 .LBB2_1-.Ltmp2, $3  }
0xb9: {  	_ =	sdelay $0x1  }
0xba: {  	[sflag:s25] =	ssyncset.done $0x0  }
0xbb: {  	[sflag:s25] =	ssyncadd.s32 $0xFFFFD800  }
0xbc: {  	_ =	sfence.sel $0x180000  }
0xbd: {  	[bflag:$0x0] =	sbarrier.arrive $0xFFFF  }
0xbe: {  	_ =	strace $0x9000004A  }
0xbf: {  	s0 =	stileid.u32;
	[bflag:$0x2] =	sbarrier.arrive $0xFFFF  }
0xc0: {  	p0 =	sne.s32 s0, $0x0;
	s0 =	rddreg [dreg:$0x2]  }
0xc1: {  	s0 =	sadd.s32 @!p0 $0x100000, s0  }
0xc2: {  	[sflag:s0] =	ssyncadd.tile.s32 @!p0 $0x1;
	_ =	shalt  }
.Lfunc_end2:
_tile_overlayer_lowered:
.L_overlay_start_2:
0xc3: {  	(tag) =	ssettag $0x2  }
0xc4: {  	s0 =	rddreg [dreg:$0x0];
	s2 =	stileid.u32  }
0xc5: {  	s1 =	rddreg [dreg:$0x1];
	p0 =	sne.s32 s2, $0x0  }
0xc6: {  	s3 =	rddreg [dreg:$0x2];
	[bflag:$0x3] =	sbarrier.arrive $0xFFFF;
	s2 =	simm.s32 @!p0 $0x1C02  }
0xc7: {  	[timem:s3], [sflag:s2] =	dma.local @!p0 [hbm:s0], s1  }
0xc8: {  	s0 =	simm.s32 @!p0 $0x2  }
0xc9: {  	_ =	swait.ge @!p0 [sflag:s0], s1  }
0xca: {  	s1 =	ssub.s32 @!p0 $0x0, s1;
	[sflag:s0] =	ssyncset.done @!p0 $0x0  }
0xcb: {  	[sflag:s0] =	ssyncadd.s32 @!p0 s1  }
0xcc: {  	[bflag:$0x3] =	sbarrier.arrive $0xFFFF  }
0xcd: {  	_ =	shalt  }

// kernel: kernel.14.cloned.1.call-start
scs
__scs_entry_jumppad:
0x0: {  	(pc) =	sbr.rel $0x88, $3  }
0x1: {  	(tag) =	ssettag $0x0;
	lr =	simm.s32 $0x1  }
0x2: {  	[smem:$0x3F9B] =	sst lr;
	_ =	strace $0xD0000000  }
0x3: {  	_ = 	snop  }
0x4: {  	_ = 	snop  }
0x5: {  	_ = 	snop  }
0x6: {  	_ = 	snop  }
0x7: {  	_ = 	snop  }
__scs_overlays_trampoline_lowered:
0x8: {  	[smem:$0x3FAA] =	sst s0  }
0x9: {  	[smem:$0x3FAB] =	sst s1  }
0xa: {  	[smem:$0x3FAC] =	sst s2  }
0xb: {  	[smem:$0x3FAD] =	sst s3  }
0xc: {  	[smem:$0x3FAE] =	sst s4  }
0xd: {  	[smem:$0x3FAF] =	sst s5  }
0xe: {  	[smem:$0x3FB0] =	sst s6  }
0xf: {  	[smem:$0x3FB1] =	sst s7  }
0x10: {  	[smem:$0x3FB2] =	sst s8  }
0x11: {  	[smem:$0x3FB3] =	sst s9;
	s0 =	simm.s32 @!p0 $0x0  }
0x12: {  	s1 =	sld [smem:$0x3F99];
	s0 =	simm.s32 @p0 $0x1  }
0x13: {  	[smem:$0x3FB4] =	sst s0;
	s0 =	simm.s32 @!p1 $0x0  }
0x14: {  	s2 =	sld [smem:$0x3F98];
	s0 =	simm.s32 @p1 $0x1  }
0x15: {  	[smem:$0x3FB5] =	sst s0;
	s0 =	simm.s32 @!p2 $0x0  }
0x16: {  	s3 =	sld [smem:$0x3FDB];
	s0 =	simm.s32 @p2 $0x1  }
0x17: {  	s4 =	simm.s32 $0x1BF5;
	[smem:$0x3FB7] =	sst s0  }
0x18: {  	s0 =	sld [smem:$0x3F9A];
	_ =	swait.ge [sflag:s4], $0x0  }
0x19: {  	s7 =	sld [smem:$0x3F9B]  }
0x1a: {  	s8 =	sadd.s32 $0xFFFFE003, lr  }
0x1b: {  	s9 =	sadd.s32 $0xFFFFFEF7, lr;
	s5 =	simm.s32 $0xFFFFFFFF;
	p2 =	slt.u32 s8, $0xFFFFF086  }
0x1c: {  	p1 =	slt.u32 s9, $0xF7A;
	s5 =	simm.s32 @!p2 $0x0  }
0x1d: {  	s5 =	simm.s32 @p1 $0x1;
	p0 =	seq.s32 s7, s2  }
0x1e: {  	s7 =	smul.u32 @!p0 $0xF7A, s2;
	p2 =	seq.s32 @!p0 s5, $0x0  }
0x1f: {  	s9 =	smul.u32 $0xF7A, s1;
	s8 =	simm.s32 @!p0 $0x1BF5;
	p2 =	por !p2, p0  }
0x20: {  	[sflag:s8] =	ssyncset.s32 @!p0 $0xFFFFF086;
	s6 =	sadd.s32 @!p0 s3, s7;
	s7 =	simm.s32 @!p0 $0x108  }
0x21: {  	s3 =	sadd.s32 s3, s9;
	s6 =	sadd.s32 @!p0 $0x88, s6;
	s7 =	simm.s32 @p2 $0x1082  }
0x22: {  	[simem:s7], [sflag:s8] =	dma.local @!p0 [hbm:s6], $0xF7A  }
0x23: {  	s9 =	sor.u32 $0xD0000000, s2;
	s6 =	simm.s32 $0x108;
	_ =	swait.ge @!p0 [sflag:s8], $0x0  }
0x24: {  	s3 =	sadd.s32 $0x88, s3;
	s6 =	simm.s32 @!p1 $0x1082;
	[sflag:s4] =	ssyncset.s32 $0xFFFFF086  }
0x25: {  	[simem:s6], [sflag:s4] =	dma.local [hbm:s3], $0xF7A  }
0x26: {  	[smem:$0x3F9B] =	sst s1;
	(tag) =	ssettag s2;
	_ =	strace s9  }
0x27: {  	s1 =	sld [smem:$0x3FAB]  }
0x28: {  	s2 =	sld [smem:$0x3FAC]  }
0x29: {  	s4 =	sld [smem:$0x3FAE]  }
0x2a: {  	p0 =	seq.s32 s5, $0x0;
	s5 =	sld [smem:$0x3FAF]  }
0x2b: {  	s6 =	sld [smem:$0x3FB0]  }
0x2c: {  	s7 =	sld [smem:$0x3FB1]  }
0x2d: {  	s3 =	simm.s32 $0x108;
	s8 =	sld [smem:$0x3FB2]  }
0x2e: {  	s3 =	simm.s32 @!p0 $0x1082;
	s9 =	sld [smem:$0x3FB3]  }
0x2f: {  	lr =	sadd.s32 s0, s3;
	s0 =	sld [smem:$0x3FAA]  }
0x30: {  	s3 =	sld [smem:$0x3FAD]  }
0x31: {  	[smem:$0x3FB6] =	sst s10  }
0x32: {  	s10 =	sld [smem:$0x3FB4];
	_ =	sdelay $0x3  }
0x33: {  	p0 =	seq.s32 s10, $0x1;
	s10 =	sld [smem:$0x3FB6];
	_ =	sdelay $0x3  }
0x34: {  	[smem:$0x3FB6] =	sst s10  }
0x35: {  	s10 =	sld [smem:$0x3FB5];
	_ =	sdelay $0x3  }
0x36: {  	p1 =	seq.s32 s10, $0x1;
	s10 =	sld [smem:$0x3FB6];
	_ =	sdelay $0x3  }
0x37: {  	[smem:$0x3FB6] =	sst s10  }
0x38: {  	s10 =	sld [smem:$0x3FB7]  }
0x39: {  	_ = 	snop;
	(pc) =	sbr.ind lr, $3  }
0x3a: {  	_ = 	snop  }
0x3b: {  	_ = 	snop  }
0x3c: {  	p2 =	seq.s32 s10, $0x1;
	s10 =	sld [smem:$0x3FB6]  }
0x3d: {  	_ =	shalt  }
0x3e: {  	_ =	shalt  }
0x3f: {  	_ =	shalt  }
0x40: {  	_ =	shalt  }
0x41: {  	_ =	shalt  }
0x42: {  	_ =	shalt  }
0x43: {  	_ =	shalt  }
0x44: {  	_ =	shalt  }
0x45: {  	_ =	shalt  }
0x46: {  	_ =	shalt  }
0x47: {  	_ =	shalt  }
0x48: {  	_ =	shalt  }
0x49: {  	_ =	shalt  }
0x4a: {  	_ =	shalt  }
0x4b: {  	_ =	shalt  }
0x4c: {  	_ =	shalt  }
0x4d: {  	_ =	shalt  }
0x4e: {  	_ =	shalt  }
0x4f: {  	_ =	shalt  }
0x50: {  	_ =	shalt  }
0x51: {  	_ =	shalt  }
0x52: {  	_ =	shalt  }
0x53: {  	_ =	shalt  }
0x54: {  	_ =	shalt  }
0x55: {  	_ =	shalt  }
0x56: {  	_ =	shalt  }
0x57: {  	_ =	shalt  }
0x58: {  	_ =	shalt  }
0x59: {  	_ =	shalt  }
0x5a: {  	_ =	shalt  }
0x5b: {  	_ =	shalt  }
0x5c: {  	_ =	shalt  }
0x5d: {  	_ =	shalt  }
0x5e: {  	_ =	shalt  }
0x5f: {  	_ =	shalt  }
0x60: {  	_ =	shalt  }
0x61: {  	_ =	shalt  }
0x62: {  	_ =	shalt  }
0x63: {  	_ =	shalt  }
0x64: {  	_ =	shalt  }
0x65: {  	_ =	shalt  }
0x66: {  	_ =	shalt  }
0x67: {  	_ =	shalt  }
0x68: {  	_ =	shalt  }
0x69: {  	_ =	shalt  }
0x6a: {  	_ =	shalt  }
0x6b: {  	_ =	shalt  }
0x6c: {  	_ =	shalt  }
0x6d: {  	_ =	shalt  }
0x6e: {  	_ =	shalt  }
0x6f: {  	_ =	shalt  }
0x70: {  	_ =	shalt  }
0x71: {  	_ =	shalt  }
0x72: {  	_ =	shalt  }
0x73: {  	_ =	shalt  }
0x74: {  	_ =	shalt  }
0x75: {  	_ =	shalt  }
0x76: {  	_ =	shalt  }
0x77: {  	_ =	shalt  }
0x78: {  	_ =	shalt  }
0x79: {  	_ =	shalt  }
0x7a: {  	_ =	shalt  }
0x7b: {  	_ =	shalt  }
0x7c: {  	_ =	shalt  }
0x7d: {  	_ =	shalt  }
0x7e: {  	_ =	shalt  }
0x7f: {  	_ =	shalt  }
0x80: {  	_ =	shalt  }
0x81: {  	_ =	shalt  }
0x82: {  	_ =	shalt  }
0x83: {  	_ =	shalt  }
0x84: {  	_ =	shalt  }
0x85: {  	_ =	shalt  }
0x86: {  	_ =	shalt  }
0x87: {  	_ =	shalt  }
.Lfunc_end0:
.L_simem_size_0:
called_computation.2_lowered:
.L_overlay_start_0:
0x88: {  	s2 =	sld [smem:$0x3FD9]  }
0x89: {  	s3 =	sld [smem:$0x3FFE];
	_ =	sdelay $0x1  }
0x8a: {  	s1 =	srdreg.scid  }
0x8b: {  	s0 =	sand.u32 $0x1, s1  }
0x8c: {  	s16 =	sshll.u32 s0, $0xA;
	s2 =	sadd.s32 s3, s2  }
0x8d: {  	s2 =	sadd.s32 s2, s16  }
0x8e: {  	[smem:$0x3FC2] =	sst s2  }
0x8f: {  	_ = 	snop  }
0x90: {  	(tm) =	ssettm $0x1  }
0x91: {  	s17 =	sld [smem:$0x3FFB];
	_ =	sdelay $0x3  }
0x92: {  	_ =	strace s17  }
0x93: {  	s2 =	sld [smem:$0x3FFC];
	_ =	sdelay $0x3  }
0x94: {  	_ =	strace s2  }
0x95: {  	s2 =	sld [smem:$0x3FFD];
	_ =	sdelay $0x3  }
0x96: {  	_ =	strace s2  }
0x97: {  	_ =	strace $0x8FFFFFFF  }
0x98: {  	s18 =	sld [smem:$0x3FDB];
	_ =	sdelay $0x1  }
0x99: {  	s19 =	simm.s32 $_scs_section_size  }
0x9a: {  	s4 =	simm.s32 $_size__tile_overlayer_lowered;
	s5 =	simm.s32 $_tile_overlayer_lowered  }
0x9b: {  	s22 =	simm.s32 $0x1BFF;
	s21 =	sshll.u32 s5, $0x1;
	s2 =	sadd.s32 s19, s18  }
0x9c: {  	s6 =	simm.s32 $0x0;
	s20 =	sshll.u32 s4, $0x1;
	s4 =	sadd.s32 s21, s2  }
0x9d: {  	[timem:s6], [sflag:s22] =	dma.local [hbm:s4], s20  }
0x9e: {  	_ =	swait.ge [sflag:s22], s20  }
0x9f: {  	s3 =	ssub.s32 $0x0, s20;
	[sflag:s22] =	ssyncset.done $0x0  }
0xa0: {  	[sflag:s22] =	ssyncadd.s32 s3;
	_ =	sdelay $0x1  }
0xa1: {  	s23 =	simm.s32 $0x1B8B  }
0xa2: {  	_ =	swait.ge [sflag:s23], $0x1  }
0xa3: {  	[sflag:s23] =	ssyncset.done $0x0  }
0xa4: {  	s25 =	simm.s32 $0x1B8E;
	s24 =	sld [smem:$0x3FFE];
	[sflag:s23] =	ssyncadd.s32 $0xFFFFFFFF  }
0xa5: {  	s26 =	simm.s32 $execute0_lowered;
	[smem:$0x3FD2] =	sst s25  }
0xa6: {  	s4 =	sshll.u32 s26, $0x1;
	_ =	strace $0x8000004C;
	[dreg:$0x1] =	wrdreg $0xFFFFFFFF  }
0xa7: {  	s28 =	simm.s32 $_size_execute0_lowered;
	s2 =	sadd.s32 s2, s4;
	[dreg:$0x0] =	wrdreg $0x0  }
0xa8: {  	s4 =	sshll.u32 s28, $0x1;
	[dreg:$0x2] =	wrdreg s2  }
0xa9: {  	[dreg:$0x3] =	wrdreg s4  }
0xaa: {  	[dreg:$0x4] =	wrdreg $0xC0  }
0xab: {  	_ =	task [dreg:s6], $0x5FFFF  }
0xac: {  	[dreg:$0x1] =	wrdreg $0xFFFFFFFF  }
0xad: {  	[dreg:$0x0] =	wrdreg $0x60  }
0xae: {  	[dreg:$0x2] =	wrdreg s24  }
0xaf: {  	[dreg:$0x3] =	wrdreg $0x29000  }
0xb0: {  	[dreg:$0x4] =	wrdreg $0x9  }
0xb1: {  	_ =	task.clear_ibuf [dreg:s6], $0x5FFFF;
	_ =	strace $0x9000004C  }
0xb2: {  	s29 =	simm.s32 $0x9;
	_ =	strace $0x8000004E  }
0xb3: {  	_ =	swait.ge [sflag:s29], $0x1  }
0xb4: {  	[sflag:s29] =	ssyncadd.s32 $0xFFFFFFFF  }
0xb5: {  	_ =	strace $0x9000004E  }
0xb6: {  	_ =	sfence  }
0xb7: {  	s30 =	sld [smem:$0x0];
	_ =	sdelay $0x2  }
0xb8: {  	s31 =	sshll.u32 s1, $0xD;
	s1 =	sshrl.u32 s1, $0x2  }
0xb9: {  	s3 =	sand.u32 $0x4000, s31;
	s1 =	sadd.s32 s1, s30  }
0xba: {  	s0 =	sor.u32 s3, s0;
	s1 =	sshll.u32 s1, $0x11  }
0xbb: {  	s0 =	sor.u32 s1, s0  }
0xbc: {  	s0 =	sadd.s32 $0x8F2B, s0  }
0xbd: {  	[sflag:s0] =	ssyncadd.remote.s32 $0x1  }
0xbe: {  	_ =	sfence.sel $0xFFFF  }
0xbf: {  	[dreg:$0x0] =	wrdreg $0xFFFFFFFF;
	(pc) =	sbr.abs _section_cstart, $3  }
0xc0: {  	[dreg:$0x1] =	wrdreg $0xFFFFFFFF  }
0xc1: {  	_ =	task.clear_ibuf [dreg:s6], $0x2FFFF;
	_ =	strace $0x9FFFFFFF  }
0xc2: {  	(tm) =	ssettm $0x7FFFFFFF  }
0xc3: {  	_ =	shalt  }
tec
execute0_lowered:
.L_overlay_start_1:
0x0: {  	(tag) =	ssettag $0x1  }
0x1: {  	s0 =	srdreg.scid  }
0x2: {  	s1 =	rddreg [dreg:$0x0];
	s8 =	stileid.u32  }
0x3: {  	s2 =	rddreg [dreg:$0x1];
	s3 =	simm.s32 $0x0;
	s5 =	smul.u32 $0x2710, s8  }
0x4: {  	s28 =	simm.s32 $0x50;
	s29 =	simm.s32 $0x1;
	s6 =	smul.u32 $0x50000, s8  }
0x5: {  	s30 =	simm.s32 $0x0;
	s0 =	sand.u32 $0x1, s0;
	s13 =	smul.u32 $0x14000, s8  }
0x6: {  	[smem:$0x7FF] =	sst s3;
	s4 =	smul.u32 $0x27100, s0;
	s22 =	ssub.s32 $0x2, s0  }
0x7: {  	_ =	strace $0x8000004D;
	s0 =	smul.u32 $0x140000, s0;
	s7 =	sshrl.u32 s22, $0x1  }
0x8: {  	s24 =	sshrl.u32 s6, $0x2;
	s14 =	sor.u32 $0x2800, s13;
	s16 =	sadd.s32 $0x5000, s13  }
0x9: {  	s17 =	sadd.s32 $0x7800, s13;
	s18 =	sadd.s32 $0xA000, s13;
	s19 =	sadd.s32 $0xC800, s13  }
0xa: {  	s20 =	sadd.s32 $0xF000, s13;
	s21 =	sadd.s32 $0x11800, s13;
	s5 =	sadd.s32 s5, s4  }
0xb: {  	s4 =	sadd.s32 $0x66600, s1;
	s7 =	ssub.s32 s22, s7;
	s8 =	sadd.s32 s16, s2  }
0xc: {  	s9 =	sadd.s32 s17, s2;
	s10 =	sadd.s32 s18, s2;
	s11 =	sadd.s32 s19, s2  }
0xd: {  	s12 =	sadd.s32 s20, s2;
	s15 =	sadd.s32 s0, s13;
	s22 =	sadd.s32 s0, s14  }
0xe: {  	s13 =	sadd.s32 s21, s2;
	s16 =	sadd.s32 s0, s16;
	s17 =	sadd.s32 s0, s17  }
0xf: {  	s18 =	sadd.s32 s0, s18;
	s19 =	sadd.s32 s0, s19;
	s20 =	sadd.s32 s0, s20  }
0x10: {  	s0 =	sadd.s32 s0, s21;
	s5 =	sshrl.u32 s5, $0x3;
	s25 =	smax.u32 s7, $0x1  }
0x11: {  	s7 =	sadd.s32 s14, s2;
	s15 =	sshrl.u32 s15, $0x3;
	s31 =	sshrl.u32 s22, $0x3  }
0x12: {  	s16 =	sshrl.u32 s16, $0x3;
	s17 =	sshrl.u32 s17, $0x3;
	s18 =	sshrl.u32 s18, $0x3  }
0x13: {  	s19 =	sshrl.u32 s19, $0x3;
	s20 =	sshrl.u32 s20, $0x3;
	s0 =	sshrl.u32 s0, $0x3  }
0x14: {  	s23 =	sadd.s32 s5, s1;
	s1 =	sadd.s32 $0x8D800, s1;
	s5 =	sadd.s32 s24, s2  }
0x15: {  	[dreg:$0x3] =	wrdreg s25;
	s24 =	simm.s32 $0x100;
	s25 =	simm.s32 $0x2  }
0x16: {  	s26 =	sadd.s32 s1, s15;
	s15 =	sadd.s32 s1, s31;
	s16 =	sadd.s32 s1, s16  }
0x17: {  	s17 =	sadd.s32 s1, s17;
	s18 =	sadd.s32 s1, s18;
	s19 =	sadd.s32 s1, s19  }
0x18: {  	s20 =	sadd.s32 s1, s20;
	s21 =	sadd.s32 s1, s0;
	s22 =	sadd.s32 $0xC800, s23  }
0x19: {  	v0 =	vimm.f32 $0.0e+00;
	s23 =	sadd.s32 $0x2A00, s23;
	[dreg:$0x4] =	wrdreg s26;
	s26 =	simm.s32 $0x80  }
.LBB2_1:
0x1a: {  	s0 =	sand.u32 $0xFE00, s3  }
0x1b: {  	s1 =	sand.u32 $0x70, s3;
	s0 =	sshrl.u32 s0, $0x2  }
0x1c: {  	s31 =	simm.s32 $0x40;
	s0 =	sor.u32 s1, s0;
	s1 =	simm.s32 $0x0  }
.LBB2_2:
0x1d: {  	p0 =	sne.s32 s31, $0x9FC0  }
0x1e: {  	[tilespmem:s0+$0x100] =	vst v0;
	s1 =	sadd.s32 $0x10, s1;
	s0 =	smov.u32 s31;
	s31 =	sadd.s32 $0x40, s31  }
.Ltmp0:
0x1f: {  	(pc) =	sbr.rel @p0 .LBB2_2-.Ltmp0, $4  }
0x20: {  	_ = 	snop  }
0x21: {  	s0 =	sand.u32 $0xFE00, s0  }
0x22: {  	s6 =	sand.u32 $0x70, s1;
	s0 =	sshrl.u32 s0, $0x2  }
0x23: {  	s0 =	sor.u32 s6, s0  }
0x24: {  	[tilespmem:s0+$0x100] =	vst v0  }
0x25: {  	[spmem:s5] =	stream.linear.scatter [tilespmem:s24], [sflag:$0x2], $0x2800, $0x38;
	[tilespmem:$0x16900] =	vst v63  }
0x26: {  	_ =	swait.ge [sflag:s25], $0x2800  }
0x27: {  	[sflag:s25] =	ssyncset.done $0x0  }
0x28: {  	[sflag:s25] =	ssyncadd.s32 $0xFFFFD800  }
0x29: {  	[spmem:s7] =	stream.linear.scatter [tilespmem:s24], [sflag:$0x2], $0x2800, $0x38;
	[tilespmem:$0x16900] =	vst v63  }
0x2a: {  	_ =	swait.ge [sflag:s25], $0x2800  }
0x2b: {  	[sflag:s25] =	ssyncset.done $0x0  }
0x2c: {  	[sflag:s25] =	ssyncadd.s32 $0xFFFFD800  }
0x2d: {  	[spmem:s8] =	stream.linear.scatter [tilespmem:s24], [sflag:$0x2], $0x2800, $0x38;
	[tilespmem:$0x16900] =	vst v63  }
0x2e: {  	_ =	swait.ge [sflag:s25], $0x2800  }
0x2f: {  	[sflag:s25] =	ssyncset.done $0x0  }
0x30: {  	[sflag:s25] =	ssyncadd.s32 $0xFFFFD800  }
0x31: {  	[spmem:s9] =	stream.linear.scatter [tilespmem:s24], [sflag:$0x2], $0x2800, $0x38;
	[tilespmem:$0x16900] =	vst v63  }
0x32: {  	_ =	swait.ge [sflag:s25], $0x2800  }
0x33: {  	[sflag:s25] =	ssyncset.done $0x0  }
0x34: {  	[sflag:s25] =	ssyncadd.s32 $0xFFFFD800  }
0x35: {  	[spmem:s10] =	stream.linear.scatter [tilespmem:s24], [sflag:$0x2], $0x2800, $0x38;
	[tilespmem:$0x16900] =	vst v63  }
0x36: {  	_ =	swait.ge [sflag:s25], $0x2800  }
0x37: {  	[sflag:s25] =	ssyncset.done $0x0  }
0x38: {  	[sflag:s25] =	ssyncadd.s32 $0xFFFFD800  }
0x39: {  	[spmem:s11] =	stream.linear.scatter [tilespmem:s24], [sflag:$0x2], $0x2800, $0x38;
	[tilespmem:$0x16900] =	vst v63  }
0x3a: {  	_ =	swait.ge [sflag:s25], $0x2800  }
0x3b: {  	[sflag:s25] =	ssyncset.done $0x0  }
0x3c: {  	[sflag:s25] =	ssyncadd.s32 $0xFFFFD800  }
0x3d: {  	[spmem:s12] =	stream.linear.scatter [tilespmem:s24], [sflag:$0x2], $0x2800, $0x38;
	[tilespmem:$0x16900] =	vst v63  }
0x3e: {  	_ =	swait.ge [sflag:s25], $0x2800  }
0x3f: {  	[sflag:s25] =	ssyncset.done $0x0  }
0x40: {  	[sflag:s25] =	ssyncadd.s32 $0xFFFFD800  }
0x41: {  	[spmem:s13] =	stream.linear.scatter [tilespmem:s24], [sflag:$0x2], $0x2800, $0x38;
	[tilespmem:$0x16900] =	vst v63  }
0x42: {  	_ =	swait.ge [sflag:s25], $0x2800  }
0x43: {  	[sflag:s25] =	ssyncset.done $0x0  }
0x44: {  	[sflag:s25] =	ssyncadd.s32 $0xFFFFD800  }
0x45: {  	s6 =	sadd.s32 $0x0, s23;
	[bflag:$0x0] =	sbarrier.arrive $0xFFFF  }
0x46: {  	[tilespmem:s3], [sflag:$0x2] =	stream.linear.gather [hbm4b:s6+s3], $0x50, $0x38;
	[tilespmem:$0x16900] =	vst v63  }
0x47: {  	_ =	swait.ge [sflag:s25], $0x50  }
0x48: {  	[sflag:s25] =	ssyncset.done $0x0  }
0x49: {  	s14 =	sadd.s32 $0x0, s22;
	[sflag:s25] =	ssyncadd.s32 $0xFFFFFFB0  }
0x4a: {  	[tilespmem:s26], [sflag:$0x2] =	stream.linear.gather [hbm4b:s14+s3], $0x50, $0x38;
	[tilespmem:$0x16900] =	vst v63  }
0x4b: {  	_ =	swait.ge [sflag:s25], $0x50  }
0x4c: {  	[sflag:s25] =	ssyncset.done $0x0  }
0x4d: {  	[sflag:s25] =	ssyncadd.s32 $0xFFFFFFB0  }
0x4e: {  	[tilespmem:s24], [sflag:$0x1] =	stream.indirect.gather [hbm4b:s4+s28], $0x80, s3, s28, $0xb8;
	[tilespmem:$0x16900] =	vst v63  }
0x4f: {  	_ =	swait.ge [sflag:s29], $0x2800  }
0x50: {  	[sflag:s29] =	ssyncset.done $0x0  }
0x51: {  	[sflag:s29] =	ssyncadd.s32 $0xFFFFD800  }
0x52: {  	[spmem:s2] =	stream.indirect.scatter.add.f32 [tilespmem:s24], [sflag:$0x2], $0x80, s26, s28, $0xb8;
	[tilespmem:$0x16900] =	vst v63  }
0x53: {  	_ =	swait.ge [sflag:s25], $0x2800  }
0x54: {  	s31 =	simm.s32 $0xA;
	s1 =	simm.s32 $0x14;
	[sflag:s25] =	ssyncset.done $0x0  }
.LBB2_4:
0x55: {  	s0 =	sadd.s32 s31, s23  }
0x56: {  	[sflag:s25] =	ssyncadd.s32 $0xFFFFD800;
	s6 =	smov.u32 s1;
	s14 =	sadd.s32 $0xA, s1  }
0x57: {  	[tilespmem:s3], [sflag:$0x2] =	stream.linear.gather [hbm4b:s0+s3], $0x50, $0x38;
	[tilespmem:$0x16900] =	vst v63  }
0x58: {  	p0 =	sne.s32 s1, $0x4D8;
	_ =	swait.ge [sflag:s25], $0x50  }
0x59: {  	[sflag:s25] =	ssyncset.done $0x0  }
0x5a: {  	s0 =	sadd.s32 s31, s22;
	s31 =	smov.u32 s6;
	[sflag:s25] =	ssyncadd.s32 $0xFFFFFFB0  }
0x5b: {  	[tilespmem:s26], [sflag:$0x2] =	stream.linear.gather [hbm4b:s0+s3], $0x50, $0x38;
	[tilespmem:$0x16900] =	vst v63  }
0x5c: {  	_ =	swait.ge [sflag:s25], $0x50  }
0x5d: {  	[sflag:s25] =	ssyncset.done $0x0  }
0x5e: {  	[sflag:s25] =	ssyncadd.s32 $0xFFFFFFB0  }
0x5f: {  	[tilespmem:s24], [sflag:$0x1] =	stream.indirect.gather [hbm4b:s4+s28], $0x80, s3, s28, $0xb8;
	[tilespmem:$0x16900] =	vst v63  }
0x60: {  	_ =	swait.ge [sflag:s29], $0x2800  }
.Ltmp1:
0x61: {  	[sflag:s29] =	ssyncset.done $0x0;
	(pc) =	sbr.rel @p0 .LBB2_4-.Ltmp1, $4  }
0x62: {  	[sflag:s29] =	ssyncadd.s32 $0xFFFFD800  }
0x63: {  	[spmem:s2] =	stream.indirect.scatter.add.f32 [tilespmem:s24], [sflag:$0x2], $0x80, s26, s28, $0xb8;
	[tilespmem:$0x16900] =	vst v63  }
0x64: {  	_ =	swait.ge [sflag:s25], $0x2800  }
0x65: {  	s1 =	smov.u32 s14;
	[sflag:s25] =	ssyncset.done $0x0  }
0x66: {  	s0 =	sadd.s32 s31, s23;
	[sflag:s25] =	ssyncadd.s32 $0xFFFFD800  }
0x67: {  	[tilespmem:s3], [sflag:$0x2] =	stream.linear.gather [hbm4b:s0+s3], $0x50, $0x38;
	[tilespmem:$0x16900] =	vst v63  }
0x68: {  	_ =	swait.ge [sflag:s25], $0x50  }
0x69: {  	[sflag:s25] =	ssyncset.done $0x0  }
0x6a: {  	s6 =	sadd.s32 s31, s22;
	[sflag:s25] =	ssyncadd.s32 $0xFFFFFFB0  }
0x6b: {  	[tilespmem:s26], [sflag:$0x2] =	stream.linear.gather [hbm4b:s6+s3], $0x50, $0x38;
	[tilespmem:$0x16900] =	vst v63  }
0x6c: {  	_ =	swait.ge [sflag:s25], $0x50  }
0x6d: {  	[sflag:s25] =	ssyncset.done $0x0  }
0x6e: {  	[sflag:s25] =	ssyncadd.s32 $0xFFFFFFB0  }
0x6f: {  	[tilespmem:s24], [sflag:$0x1] =	stream.indirect.gather [hbm4b:s4+s28], $0x80, s3, s28, $0xb8;
	[tilespmem:$0x16900] =	vst v63  }
0x70: {  	_ =	swait.ge [sflag:s29], $0x2800  }
0x71: {  	[sflag:s29] =	ssyncset.done $0x0  }
0x72: {  	[sflag:s29] =	ssyncadd.s32 $0xFFFFD800  }
0x73: {  	[spmem:s2] =	stream.indirect.scatter.add.f32 [tilespmem:s24], [sflag:$0x2], $0x80, s26, s28, $0xb8;
	[tilespmem:$0x16900] =	vst v63  }
0x74: {  	_ =	swait.ge [sflag:s25], $0x2800  }
0x75: {  	[sflag:s25] =	ssyncset.done $0x0  }
0x76: {  	[sflag:s25] =	ssyncadd.s32 $0xFFFFD800  }
0x77: {  	[bflag:$0x0] =	sbarrier.arrive $0xFFFF  }
0x78: {  	[tilespmem:s24], [sflag:$0x2] =	stream.linear.gather [spmem:s5], $0x2800, $0x38;
	[tilespmem:$0x16900] =	vst v63  }
0x79: {  	_ =	swait.ge [sflag:s25], $0x2800  }
0x7a: {  	[sflag:s25] =	ssyncset.done $0x0  }
0x7b: {  	s14 =	rddreg [dreg:$0x4];
	[sflag:s25] =	ssyncadd.s32 $0xFFFFD800  }
0x7c: {  	[hbm4b:s14+s3] =	stream.linear.scatter [tilespmem:s24], [sflag:$0x2], $0x2800, $0x38;
	[tilespmem:$0x16900] =	vst v63  }
0x7d: {  	_ =	swait.ge [sflag:s25], $0x2800  }
0x7e: {  	[sflag:s25] =	ssyncset.done $0x0  }
0x7f: {  	[sflag:s25] =	ssyncadd.s32 $0xFFFFD800  }
0x80: {  	[tilespmem:s24], [sflag:$0x2] =	stream.linear.gather [spmem:s7], $0x2800, $0x38;
	[tilespmem:$0x16900] =	vst v63  }
0x81: {  	_ =	swait.ge [sflag:s25], $0x2800  }
0x82: {  	[sflag:s25] =	ssyncset.done $0x0  }
0x83: {  	[sflag:s25] =	ssyncadd.s32 $0xFFFFD800  }
0x84: {  	[hbm4b:s15+s3] =	stream.linear.scatter [tilespmem:s24], [sflag:$0x2], $0x2800, $0x38;
	[tilespmem:$0x16900] =	vst v63  }
0x85: {  	_ =	swait.ge [sflag:s25], $0x2800  }
0x86: {  	[sflag:s25] =	ssyncset.done $0x0  }
0x87: {  	[sflag:s25] =	ssyncadd.s32 $0xFFFFD800  }
0x88: {  	[tilespmem:s24], [sflag:$0x2] =	stream.linear.gather [spmem:s8], $0x2800, $0x38;
	[tilespmem:$0x16900] =	vst v63  }
0x89: {  	_ =	swait.ge [sflag:s25], $0x2800  }
0x8a: {  	[sflag:s25] =	ssyncset.done $0x0  }
0x8b: {  	[sflag:s25] =	ssyncadd.s32 $0xFFFFD800  }
0x8c: {  	[hbm4b:s16+s3] =	stream.linear.scatter [tilespmem:s24], [sflag:$0x2], $0x2800, $0x38;
	[tilespmem:$0x16900] =	vst v63  }
0x8d: {  	_ =	swait.ge [sflag:s25], $0x2800  }
0x8e: {  	[sflag:s25] =	ssyncset.done $0x0  }
0x8f: {  	[sflag:s25] =	ssyncadd.s32 $0xFFFFD800  }
0x90: {  	[tilespmem:s24], [sflag:$0x2] =	stream.linear.gather [spmem:s9], $0x2800, $0x38;
	[tilespmem:$0x16900] =	vst v63  }
0x91: {  	_ =	swait.ge [sflag:s25], $0x2800  }
0x92: {  	[sflag:s25] =	ssyncset.done $0x0  }
0x93: {  	[sflag:s25] =	ssyncadd.s32 $0xFFFFD800  }
0x94: {  	[hbm4b:s17+s3] =	stream.linear.scatter [tilespmem:s24], [sflag:$0x2], $0x2800, $0x38;
	[tilespmem:$0x16900] =	vst v63  }
0x95: {  	_ =	swait.ge [sflag:s25], $0x2800  }
0x96: {  	[sflag:s25] =	ssyncset.done $0x0  }
0x97: {  	[sflag:s25] =	ssyncadd.s32 $0xFFFFD800  }
0x98: {  	[tilespmem:s24], [sflag:$0x2] =	stream.linear.gather [spmem:s10], $0x2800, $0x38;
	[tilespmem:$0x16900] =	vst v63  }
0x99: {  	_ =	swait.ge [sflag:s25], $0x2800  }
0x9a: {  	[sflag:s25] =	ssyncset.done $0x0  }
0x9b: {  	[sflag:s25] =	ssyncadd.s32 $0xFFFFD800  }
0x9c: {  	[hbm4b:s18+s3] =	stream.linear.scatter [tilespmem:s24], [sflag:$0x2], $0x2800, $0x38;
	[tilespmem:$0x16900] =	vst v63  }
0x9d: {  	_ =	swait.ge [sflag:s25], $0x2800  }
0x9e: {  	[sflag:s25] =	ssyncset.done $0x0  }
0x9f: {  	[sflag:s25] =	ssyncadd.s32 $0xFFFFD800  }
0xa0: {  	[tilespmem:s24], [sflag:$0x2] =	stream.linear.gather [spmem:s11], $0x2800, $0x38;
	[tilespmem:$0x16900] =	vst v63  }
0xa1: {  	_ =	swait.ge [sflag:s25], $0x2800  }
0xa2: {  	[sflag:s25] =	ssyncset.done $0x0  }
0xa3: {  	[sflag:s25] =	ssyncadd.s32 $0xFFFFD800  }
0xa4: {  	[hbm4b:s19+s3] =	stream.linear.scatter [tilespmem:s24], [sflag:$0x2], $0x2800, $0x38;
	[tilespmem:$0x16900] =	vst v63  }
0xa5: {  	_ =	swait.ge [sflag:s25], $0x2800  }
0xa6: {  	[sflag:s25] =	ssyncset.done $0x0  }
0xa7: {  	[sflag:s25] =	ssyncadd.s32 $0xFFFFD800  }
0xa8: {  	[tilespmem:s24], [sflag:$0x2] =	stream.linear.gather [spmem:s12], $0x2800, $0x38;
	[tilespmem:$0x16900] =	vst v63  }
0xa9: {  	_ =	swait.ge [sflag:s25], $0x2800  }
0xaa: {  	[sflag:s25] =	ssyncset.done $0x0  }
0xab: {  	[sflag:s25] =	ssyncadd.s32 $0xFFFFD800  }
0xac: {  	[hbm4b:s20+s3] =	stream.linear.scatter [tilespmem:s24], [sflag:$0x2], $0x2800, $0x38;
	[tilespmem:$0x16900] =	vst v63  }
0xad: {  	_ =	swait.ge [sflag:s25], $0x2800  }
0xae: {  	[sflag:s25] =	ssyncset.done $0x0  }
0xaf: {  	[sflag:s25] =	ssyncadd.s32 $0xFFFFD800  }
0xb0: {  	[tilespmem:s24], [sflag:$0x2] =	stream.linear.gather [spmem:s13], $0x2800, $0x38;
	[tilespmem:$0x16900] =	vst v63  }
0xb1: {  	_ =	swait.ge [sflag:s25], $0x2800  }
0xb2: {  	[sflag:s25] =	ssyncset.done $0x0  }
0xb3: {  	[sflag:s25] =	ssyncadd.s32 $0xFFFFD800  }
0xb4: {  	[hbm4b:s21+s3] =	stream.linear.scatter [tilespmem:s24], [sflag:$0x2], $0x2800, $0x38;
	[tilespmem:$0x16900] =	vst v63  }
0xb5: {  	_ =	swait.ge [sflag:s25], $0x2800  }
0xb6: {  	s30 =	sadd.s32 $0x1, s30;
	s31 =	rddreg [dreg:$0x3]  }
0xb7: {  	p0 =	sne.s32 s30, s31  }
.Ltmp2:
0xb8: {  	_ = 	snop;
	(pc) =	sbr.rel @p0 .LBB2_1-.Ltmp2, $3  }
0xb9: {  	_ =	sdelay $0x1  }
0xba: {  	[sflag:s25] =	ssyncset.done $0x0  }
0xbb: {  	[sflag:s25] =	ssyncadd.s32 $0xFFFFD800  }
0xbc: {  	_ =	sfence.sel $0x180000  }
0xbd: {  	[bflag:$0x0] =	sbarrier.arrive $0xFFFF  }
0xbe: {  	_ =	strace $0x9000004D  }
0xbf: {  	s0 =	stileid.u32;
	[bflag:$0x2] =	sbarrier.arrive $0xFFFF  }
0xc0: {  	p0 =	sne.s32 s0, $0x0;
	s0 =	rddreg [dreg:$0x2]  }
0xc1: {  	s0 =	sadd.s32 @!p0 $0x100000, s0  }
0xc2: {  	[sflag:s0] =	ssyncadd.tile.s32 @!p0 $0x1;
	_ =	shalt  }
.Lfunc_end2:
_tile_overlayer_lowered:
.L_overlay_start_2:
0xc3: {  	(tag) =	ssettag $0x2  }
0xc4: {  	s0 =	rddreg [dreg:$0x0];
	s2 =	stileid.u32  }
0xc5: {  	s1 =	rddreg [dreg:$0x1];
	p0 =	sne.s32 s2, $0x0  }
0xc6: {  	s3 =	rddreg [dreg:$0x2];
	[bflag:$0x3] =	sbarrier.arrive $0xFFFF;
	s2 =	simm.s32 @!p0 $0x1C02  }
0xc7: {  	[timem:s3], [sflag:s2] =	dma.local @!p0 [hbm:s0], s1  }
0xc8: {  	s0 =	simm.s32 @!p0 $0x2  }
0xc9: {  	_ =	swait.ge @!p0 [sflag:s0], s1  }
0xca: {  	s1 =	ssub.s32 @!p0 $0x0, s1;
	[sflag:s0] =	ssyncset.done @!p0 $0x0  }
0xcb: {  	[sflag:s0] =	ssyncadd.s32 @!p0 s1  }
0xcc: {  	[bflag:$0x3] =	sbarrier.arrive $0xFFFF  }
0xcd: {  	_ =	shalt  }

// kernel: kernel.8.cloned.1.call-start
scs
__scs_entry_jumppad:
0x0: {  	(pc) =	sbr.rel $0x88, $3  }
0x1: {  	(tag) =	ssettag $0x0;
	lr =	simm.s32 $0x1  }
0x2: {  	[smem:$0x3F9B] =	sst lr;
	_ =	strace $0xD0000000  }
0x3: {  	_ = 	snop  }
0x4: {  	_ = 	snop  }
0x5: {  	_ = 	snop  }
0x6: {  	_ = 	snop  }
0x7: {  	_ = 	snop  }
__scs_overlays_trampoline_lowered:
0x8: {  	[smem:$0x3FAA] =	sst s0  }
0x9: {  	[smem:$0x3FAB] =	sst s1  }
0xa: {  	[smem:$0x3FAC] =	sst s2  }
0xb: {  	[smem:$0x3FAD] =	sst s3  }
0xc: {  	[smem:$0x3FAE] =	sst s4  }
0xd: {  	[smem:$0x3FAF] =	sst s5  }
0xe: {  	[smem:$0x3FB0] =	sst s6  }
0xf: {  	[smem:$0x3FB1] =	sst s7  }
0x10: {  	[smem:$0x3FB2] =	sst s8  }
0x11: {  	[smem:$0x3FB3] =	sst s9;
	s0 =	simm.s32 @!p0 $0x0  }
0x12: {  	s1 =	sld [smem:$0x3F99];
	s0 =	simm.s32 @p0 $0x1  }
0x13: {  	[smem:$0x3FB4] =	sst s0;
	s0 =	simm.s32 @!p1 $0x0  }
0x14: {  	s2 =	sld [smem:$0x3F98];
	s0 =	simm.s32 @p1 $0x1  }
0x15: {  	[smem:$0x3FB5] =	sst s0;
	s0 =	simm.s32 @!p2 $0x0  }
0x16: {  	s3 =	sld [smem:$0x3FDB];
	s0 =	simm.s32 @p2 $0x1  }
0x17: {  	s4 =	simm.s32 $0x1BF5;
	[smem:$0x3FB7] =	sst s0  }
0x18: {  	s0 =	sld [smem:$0x3F9A];
	_ =	swait.ge [sflag:s4], $0x0  }
0x19: {  	s7 =	sld [smem:$0x3F9B]  }
0x1a: {  	s8 =	sadd.s32 $0xFFFFE003, lr  }
0x1b: {  	s9 =	sadd.s32 $0xFFFFFEF7, lr;
	s5 =	simm.s32 $0xFFFFFFFF;
	p2 =	slt.u32 s8, $0xFFFFF086  }
0x1c: {  	p1 =	slt.u32 s9, $0xF7A;
	s5 =	simm.s32 @!p2 $0x0  }
0x1d: {  	s5 =	simm.s32 @p1 $0x1;
	p0 =	seq.s32 s7, s2  }
0x1e: {  	s7 =	smul.u32 @!p0 $0xF7A, s2;
	p2 =	seq.s32 @!p0 s5, $0x0  }
0x1f: {  	s9 =	smul.u32 $0xF7A, s1;
	s8 =	simm.s32 @!p0 $0x1BF5;
	p2 =	por !p2, p0  }
0x20: {  	[sflag:s8] =	ssyncset.s32 @!p0 $0xFFFFF086;
	s6 =	sadd.s32 @!p0 s3, s7;
	s7 =	simm.s32 @!p0 $0x108  }
0x21: {  	s3 =	sadd.s32 s3, s9;
	s6 =	sadd.s32 @!p0 $0x88, s6;
	s7 =	simm.s32 @p2 $0x1082  }
0x22: {  	[simem:s7], [sflag:s8] =	dma.local @!p0 [hbm:s6], $0xF7A  }
0x23: {  	s9 =	sor.u32 $0xD0000000, s2;
	s6 =	simm.s32 $0x108;
	_ =	swait.ge @!p0 [sflag:s8], $0x0  }
0x24: {  	s3 =	sadd.s32 $0x88, s3;
	s6 =	simm.s32 @!p1 $0x1082;
	[sflag:s4] =	ssyncset.s32 $0xFFFFF086  }
0x25: {  	[simem:s6], [sflag:s4] =	dma.local [hbm:s3], $0xF7A  }
0x26: {  	[smem:$0x3F9B] =	sst s1;
	(tag) =	ssettag s2;
	_ =	strace s9  }
0x27: {  	s1 =	sld [smem:$0x3FAB]  }
0x28: {  	s2 =	sld [smem:$0x3FAC]  }
0x29: {  	s4 =	sld [smem:$0x3FAE]  }
0x2a: {  	p0 =	seq.s32 s5, $0x0;
	s5 =	sld [smem:$0x3FAF]  }
0x2b: {  	s6 =	sld [smem:$0x3FB0]  }
0x2c: {  	s7 =	sld [smem:$0x3FB1]  }
0x2d: {  	s3 =	simm.s32 $0x108;
	s8 =	sld [smem:$0x3FB2]  }
0x2e: {  	s3 =	simm.s32 @!p0 $0x1082;
	s9 =	sld [smem:$0x3FB3]  }
0x2f: {  	lr =	sadd.s32 s0, s3;
	s0 =	sld [smem:$0x3FAA]  }
0x30: {  	s3 =	sld [smem:$0x3FAD]  }
0x31: {  	[smem:$0x3FB6] =	sst s10  }
0x32: {  	s10 =	sld [smem:$0x3FB4];
	_ =	sdelay $0x3  }
0x33: {  	p0 =	seq.s32 s10, $0x1;
	s10 =	sld [smem:$0x3FB6];
	_ =	sdelay $0x3  }
0x34: {  	[smem:$0x3FB6] =	sst s10  }
0x35: {  	s10 =	sld [smem:$0x3FB5];
	_ =	sdelay $0x3  }
0x36: {  	p1 =	seq.s32 s10, $0x1;
	s10 =	sld [smem:$0x3FB6];
	_ =	sdelay $0x3  }
0x37: {  	[smem:$0x3FB6] =	sst s10  }
0x38: {  	s10 =	sld [smem:$0x3FB7]  }
0x39: {  	_ = 	snop;
	(pc) =	sbr.ind lr, $3  }
0x3a: {  	_ = 	snop  }
0x3b: {  	_ = 	snop  }
0x3c: {  	p2 =	seq.s32 s10, $0x1;
	s10 =	sld [smem:$0x3FB6]  }
0x3d: {  	_ =	shalt  }
0x3e: {  	_ =	shalt  }
0x3f: {  	_ =	shalt  }
0x40: {  	_ =	shalt  }
0x41: {  	_ =	shalt  }
0x42: {  	_ =	shalt  }
0x43: {  	_ =	shalt  }
0x44: {  	_ =	shalt  }
0x45: {  	_ =	shalt  }
0x46: {  	_ =	shalt  }
0x47: {  	_ =	shalt  }
0x48: {  	_ =	shalt  }
0x49: {  	_ =	shalt  }
0x4a: {  	_ =	shalt  }
0x4b: {  	_ =	shalt  }
0x4c: {  	_ =	shalt  }
0x4d: {  	_ =	shalt  }
0x4e: {  	_ =	shalt  }
0x4f: {  	_ =	shalt  }
0x50: {  	_ =	shalt  }
0x51: {  	_ =	shalt  }
0x52: {  	_ =	shalt  }
0x53: {  	_ =	shalt  }
0x54: {  	_ =	shalt  }
0x55: {  	_ =	shalt  }
0x56: {  	_ =	shalt  }
0x57: {  	_ =	shalt  }
0x58: {  	_ =	shalt  }
0x59: {  	_ =	shalt  }
0x5a: {  	_ =	shalt  }
0x5b: {  	_ =	shalt  }
0x5c: {  	_ =	shalt  }
0x5d: {  	_ =	shalt  }
0x5e: {  	_ =	shalt  }
0x5f: {  	_ =	shalt  }
0x60: {  	_ =	shalt  }
0x61: {  	_ =	shalt  }
0x62: {  	_ =	shalt  }
0x63: {  	_ =	shalt  }
0x64: {  	_ =	shalt  }
0x65: {  	_ =	shalt  }
0x66: {  	_ =	shalt  }
0x67: {  	_ =	shalt  }
0x68: {  	_ =	shalt  }
0x69: {  	_ =	shalt  }
0x6a: {  	_ =	shalt  }
0x6b: {  	_ =	shalt  }
0x6c: {  	_ =	shalt  }
0x6d: {  	_ =	shalt  }
0x6e: {  	_ =	shalt  }
0x6f: {  	_ =	shalt  }
0x70: {  	_ =	shalt  }
0x71: {  	_ =	shalt  }
0x72: {  	_ =	shalt  }
0x73: {  	_ =	shalt  }
0x74: {  	_ =	shalt  }
0x75: {  	_ =	shalt  }
0x76: {  	_ =	shalt  }
0x77: {  	_ =	shalt  }
0x78: {  	_ =	shalt  }
0x79: {  	_ =	shalt  }
0x7a: {  	_ =	shalt  }
0x7b: {  	_ =	shalt  }
0x7c: {  	_ =	shalt  }
0x7d: {  	_ =	shalt  }
0x7e: {  	_ =	shalt  }
0x7f: {  	_ =	shalt  }
0x80: {  	_ =	shalt  }
0x81: {  	_ =	shalt  }
0x82: {  	_ =	shalt  }
0x83: {  	_ =	shalt  }
0x84: {  	_ =	shalt  }
0x85: {  	_ =	shalt  }
0x86: {  	_ =	shalt  }
0x87: {  	_ =	shalt  }
.Lfunc_end0:
.L_simem_size_0:
called_computation_lowered:
.L_overlay_start_0:
0x88: {  	s2 =	sld [smem:$0x3FD9]  }
0x89: {  	s3 =	sld [smem:$0x3FFE];
	_ =	sdelay $0x1  }
0x8a: {  	s1 =	srdreg.scid  }
0x8b: {  	s0 =	sand.u32 $0x1, s1  }
0x8c: {  	s17 =	sshll.u32 s0, $0xA;
	s2 =	sadd.s32 s3, s2  }
0x8d: {  	s2 =	sadd.s32 s2, s17  }
0x8e: {  	[smem:$0x3FC2] =	sst s2  }
0x8f: {  	_ = 	snop  }
0x90: {  	s2 =	sld [smem:$0x3FD0];
	(tm) =	ssettm $0x1  }
0x91: {  	s18 =	sld [smem:$0x3FFB];
	_ =	sdelay $0x3  }
0x92: {  	_ =	strace s18  }
0x93: {  	s3 =	sld [smem:$0x3FFC];
	_ =	sdelay $0x3  }
0x94: {  	_ =	strace s3  }
0x95: {  	s3 =	sld [smem:$0x3FFD];
	_ =	sdelay $0x3  }
0x96: {  	_ =	strace s3  }
0x97: {  	_ =	strace $0x8FFFFFFF  }
0x98: {  	s19 =	sld [smem:$0x3FDB];
	_ =	sdelay $0x1  }
0x99: {  	s4 =	simm.s32 $_scs_section_size  }
0x9a: {  	s5 =	simm.s32 $_size__tile_overlayer_lowered;
	s6 =	simm.s32 $_tile_overlayer_lowered  }
0x9b: {  	s22 =	simm.s32 $0x1BFF;
	s21 =	sshll.u32 s6, $0x1;
	s3 =	sadd.s32 s4, s19  }
0x9c: {  	s7 =	simm.s32 $0x0;
	s20 =	sshll.u32 s5, $0x1;
	s5 =	sadd.s32 s21, s3  }
0x9d: {  	[timem:s7], [sflag:s22] =	dma.local [hbm:s5], s20  }
0x9e: {  	_ =	swait.ge [sflag:s22], s20  }
0x9f: {  	s4 =	ssub.s32 $0x0, s20;
	[sflag:s22] =	ssyncset.done $0x0  }
0xa0: {  	[sflag:s22] =	ssyncadd.s32 s4;
	_ =	sdelay $0x1  }
0xa1: {  	s23 =	simm.s32 $0x1B8B  }
0xa2: {  	_ =	swait.ge [sflag:s23], $0x1  }
0xa3: {  	[sflag:s23] =	ssyncset.done $0x0  }
0xa4: {  	s25 =	simm.s32 $0x1B8E;
	s24 =	sld [smem:$0x3FFE];
	[sflag:s23] =	ssyncadd.s32 $0xFFFFFFFF  }
0xa5: {  	s26 =	simm.s32 $execute0_lowered;
	[smem:$0x3FD2] =	sst s25  }
0xa6: {  	s5 =	sshll.u32 s26, $0x1;
	_ =	strace $0x80000046;
	[dreg:$0x1] =	wrdreg $0xFFFFFFFF  }
0xa7: {  	s28 =	simm.s32 $_size_execute0_lowered;
	s3 =	sadd.s32 s3, s5;
	[dreg:$0x0] =	wrdreg $0x0  }
0xa8: {  	s5 =	sshll.u32 s28, $0x1;
	[dreg:$0x2] =	wrdreg s3  }
0xa9: {  	[dreg:$0x3] =	wrdreg s5  }
0xaa: {  	[dreg:$0x4] =	wrdreg $0xC0  }
0xab: {  	_ =	task [dreg:s7], $0x5FFFF  }
0xac: {  	[dreg:$0x1] =	wrdreg $0xFFFFFFFF  }
0xad: {  	[dreg:$0x0] =	wrdreg $0x60  }
0xae: {  	[dreg:$0x2] =	wrdreg s2  }
0xaf: {  	[dreg:$0x3] =	wrdreg s24  }
0xb0: {  	[dreg:$0x4] =	wrdreg $0x2C800  }
0xb1: {  	[dreg:$0x5] =	wrdreg $0x9  }
0xb2: {  	_ =	task.clear_ibuf [dreg:s7], $0x6FFFF;
	_ =	strace $0x90000046  }
0xb3: {  	s29 =	simm.s32 $0x9;
	_ =	strace $0x80000048  }
0xb4: {  	_ =	swait.ge [sflag:s29], $0x1  }
0xb5: {  	[sflag:s29] =	ssyncadd.s32 $0xFFFFFFFF  }
0xb6: {  	_ =	strace $0x90000048  }
0xb7: {  	_ =	sfence  }
0xb8: {  	s30 =	sld [smem:$0x0];
	_ =	sdelay $0x2  }
0xb9: {  	s31 =	sshll.u32 s1, $0xD;
	s1 =	sshrl.u32 s1, $0x2  }
0xba: {  	s3 =	sand.u32 $0x4000, s31;
	s1 =	sadd.s32 s1, s30  }
0xbb: {  	s0 =	sor.u32 s3, s0;
	s1 =	sshll.u32 s1, $0x11  }
0xbc: {  	s0 =	sor.u32 s1, s0  }
0xbd: {  	s0 =	sadd.s32 $0x8F2B, s0  }
0xbe: {  	[sflag:s0] =	ssyncadd.remote.s32 $0x1  }
0xbf: {  	_ =	sfence.sel $0xFFFF  }
0xc0: {  	[dreg:$0x0] =	wrdreg $0xFFFFFFFF;
	(pc) =	sbr.abs _section_cstart, $3  }
0xc1: {  	[dreg:$0x1] =	wrdreg $0xFFFFFFFF  }
0xc2: {  	_ =	task.clear_ibuf [dreg:s7], $0x2FFFF;
	_ =	strace $0x9FFFFFFF  }
0xc3: {  	(tm) =	ssettm $0x7FFFFFFF  }
tec
execute0_lowered:
.L_overlay_start_1:
0x0: {  	(tag) =	ssettag $0x1  }
0x1: {  	s4 =	rddreg [dreg:$0x0]  }
0x2: {  	s0 =	srdreg.scid;
	s5 =	rddreg [dreg:$0x1]  }
0x3: {  	s2 =	rddreg [dreg:$0x2];
	s24 =	stileid.u32  }
0x4: {  	s3 =	simm.s32 $0x0;
	s23 =	simm.s32 $0x80;
	s28 =	simm.s32 $0x4  }
0x5: {  	s29 =	simm.s32 $0x0;
	s6 =	sand.u32 $0x1, s0;
	s9 =	smul.u32 $0xA00, s24  }
0x6: {  	[smem:$0x7FF] =	sst s3;
	s20 =	sadd.s32 $0x16600, s5;
	s17 =	smul.u32 $0x280, s24  }
0x7: {  	s7 =	sshll.u32 s6, $0x4;
	_ =	strace $0x80000047;
	s8 =	ssub.s32 $0x2, s6  }
0x8: {  	s18 =	smul.u32 $0x2800, s6;
	s7 =	sor.u32 s24, s7;
	s25 =	sshrl.u32 s8, $0x1  }
0x9: {  	s26 =	sshrl.u32 s9, $0x2;
	s5 =	sadd.s32 s17, s2;
	s13 =	sadd.s32 $0x80, s17  }
0xa: {  	s15 =	sadd.s32 $0x100, s17;
	s19 =	sadd.s32 $0x180, s17;
	s22 =	sadd.s32 $0x200, s17  }
0xb: {  	s24 =	simm.s32 $0x1;
	s7 =	smul.u32 $0x580, s7;
	s8 =	ssub.s32 s8, s25  }
0xc: {  	s6 =	sadd.s32 s26, s2;
	s12 =	sadd.s32 s18, s17;
	s14 =	sadd.s32 s18, s13  }
0xd: {  	s13 =	sadd.s32 s13, s2;
	s16 =	sadd.s32 s18, s15;
	s15 =	sadd.s32 s15, s2  }
0xe: {  	s21 =	sadd.s32 s18, s19;
	s17 =	sadd.s32 s19, s2;
	s31 =	sadd.s32 s18, s22  }
0xf: {  	s19 =	sadd.s32 s22, s2;
	s22 =	simm.s32 $0x2C00;
	s25 =	simm.s32 $0x2  }
0x10: {  	s26 =	simm.s32 $0x3;
	s9 =	sadd.s32 $0x100, s6;
	s10 =	sadd.s32 $0x180, s6  }
0x11: {  	s11 =	sadd.s32 $0x200, s6;
	s12 =	sshrl.u32 s12, $0x3;
	s14 =	sshrl.u32 s14, $0x3  }
0x12: {  	s16 =	sshrl.u32 s16, $0x3;
	s30 =	sshrl.u32 s21, $0x3;
	s21 =	sshrl.u32 s31, $0x3  }
0x13: {  	s4 =	sadd.s32 s4, s7;
	s7 =	smax.u32 s8, $0x1;
	s8 =	sadd.s32 $0x80, s6  }
0x14: {  	s12 =	sadd.s32 s20, s12;
	s14 =	sadd.s32 s20, s14;
	s16 =	sadd.s32 s20, s16  }
0x15: {  	v0 =	vimm.f32 $1.000000000e+00;
	s18 =	sadd.s32 s20, s30;
	s20 =	sadd.s32 s20, s21;
	s21 =	simm.s32 $0x5  }
.LBB2_1:
0x16: {  	[tilespmem:s3], [sflag:$0x5] =	stream.linear.gather [hbm4b:s4+s3], $0x2880, $0x38;
	[tilespmem:$0x2F00] =	vst v63  }
0x17: {  	_ =	swait.ge [sflag:s21], $0x2880  }
0x18: {  	[sflag:s21] =	ssyncset.done $0x0  }
0x19: {  	[sflag:s21] =	ssyncadd.s32 $0xFFFFD780  }
0x1a: {  	[tilespmem:$0x2C00] =	vst v0  }
0x1b: {  	[tilespmem:$0x2C10] =	vst v0  }
0x1c: {  	[tilespmem:$0x2C20] =	vst v0  }
0x1d: {  	[tilespmem:$0x2C30] =	vst v0  }
0x1e: {  	[tilespmem:$0x2C40] =	vst v0  }
0x1f: {  	[tilespmem:$0x2C50] =	vst v0  }
0x20: {  	[tilespmem:$0x2C60] =	vst v0  }
0x21: {  	[tilespmem:$0x2C70] =	vst v0  }
0x22: {  	[spmem:s6] =	stream.linear.scatter [tilespmem:s22], [sflag:$0x5], $0x80, $0x38;
	[tilespmem:$0x2F00] =	vst v63  }
0x23: {  	_ =	swait.ge [sflag:s21], $0x80  }
0x24: {  	[sflag:s21] =	ssyncset.done $0x0  }
0x25: {  	[sflag:s21] =	ssyncadd.s32 $0xFFFFFF80  }
0x26: {  	[spmem:s8] =	stream.linear.scatter [tilespmem:s22], [sflag:$0x5], $0x80, $0x38;
	[tilespmem:$0x2F00] =	vst v63  }
0x27: {  	_ =	swait.ge [sflag:s21], $0x80  }
0x28: {  	[sflag:s21] =	ssyncset.done $0x0  }
0x29: {  	[sflag:s21] =	ssyncadd.s32 $0xFFFFFF80  }
0x2a: {  	[spmem:s9] =	stream.linear.scatter [tilespmem:s22], [sflag:$0x5], $0x80, $0x38;
	[tilespmem:$0x2F00] =	vst v63  }
0x2b: {  	_ =	swait.ge [sflag:s21], $0x80  }
0x2c: {  	[sflag:s21] =	ssyncset.done $0x0  }
0x2d: {  	[sflag:s21] =	ssyncadd.s32 $0xFFFFFF80  }
0x2e: {  	[spmem:s10] =	stream.linear.scatter [tilespmem:s22], [sflag:$0x5], $0x80, $0x38;
	[tilespmem:$0x2F00] =	vst v63  }
0x2f: {  	_ =	swait.ge [sflag:s21], $0x80  }
0x30: {  	[sflag:s21] =	ssyncset.done $0x0  }
0x31: {  	[sflag:s21] =	ssyncadd.s32 $0xFFFFFF80  }
0x32: {  	[spmem:s11] =	stream.linear.scatter [tilespmem:s22], [sflag:$0x5], $0x80, $0x38;
	[tilespmem:$0x2F00] =	vst v63  }
0x33: {  	_ =	swait.ge [sflag:s21], $0x80  }
0x34: {  	[sflag:s21] =	ssyncset.done $0x0  }
0x35: {  	[sflag:s21] =	ssyncadd.s32 $0xFFFFFF80  }
0x36: {  	s30 =	simm.s32 $0x0;
	[bflag:$0x0] =	sbarrier.arrive $0xFFFF  }
0x37: {  	[spmem:s2] =	stream.indirect.scatter.add.f32 [tilespmem:s22], [sflag:$0x1], $0x1, s30, s23, $0xb8;
	[tilespmem:$0x2F00] =	vst v63  }
0x38: {  	s30 =	simm.s32 $0x80  }
0x39: {  	[spmem:s2] =	stream.indirect.scatter.add.f32 [tilespmem:s22], [sflag:$0x2], $0x1, s30, s23, $0xb8;
	[tilespmem:$0x2F00] =	vst v63  }
0x3a: {  	s30 =	simm.s32 $0x100  }
0x3b: {  	[spmem:s2] =	stream.indirect.scatter.add.f32 [tilespmem:s22], [sflag:$0x3], $0x1, s30, s23, $0xb8;
	[tilespmem:$0x2F00] =	vst v63  }
0x3c: {  	s30 =	simm.s32 $0x180  }
0x3d: {  	[spmem:s2] =	stream.indirect.scatter.add.f32 [tilespmem:s22], [sflag:$0x4], $0x1, s30, s23, $0xb8;
	[tilespmem:$0x2F00] =	vst v63  }
0x3e: {  	_ =	swait.ge [sflag:s24], $0x80  }
0x3f: {  	[sflag:s24] =	ssyncset.done $0x0  }
0x40: {  	[sflag:s24] =	ssyncadd.s32 $0xFFFFFF80  }
0x41: {  	_ =	swait.ge [sflag:s25], $0x80  }
0x42: {  	[sflag:s25] =	ssyncset.done $0x0  }
0x43: {  	[sflag:s25] =	ssyncadd.s32 $0xFFFFFF80  }
0x44: {  	_ =	swait.ge [sflag:s26], $0x80  }
0x45: {  	[sflag:s26] =	ssyncset.done $0x0  }
0x46: {  	[sflag:s26] =	ssyncadd.s32 $0xFFFFFF80  }
0x47: {  	_ =	swait.ge [sflag:s28], $0x80  }
0x48: {  	s31 =	simm.s32 $0x1000;
	s30 =	simm.s32 $0x800;
	[sflag:s28] =	ssyncset.done $0x0  }
.LBB2_2:
0x49: {  	s0 =	sshra.s32 s30, $0x2  }
0x4a: {  	[sflag:s28] =	ssyncadd.s32 $0xFFFFFF80;
	s30 =	smov.u32 s31;
	s1 =	sadd.s32 $0x800, s31  }
0x4b: {  	[spmem:s2] =	stream.indirect.scatter.add.f32 [tilespmem:s22], [sflag:$0x1], $0x1, s0, s23, $0xb8;
	[tilespmem:$0x2F00] =	vst v63  }
0x4c: {  	p0 =	sne.s32 s31, $0x9800;
	s31 =	sadd.s32 $0x80, s0  }
0x4d: {  	[spmem:s2] =	stream.indirect.scatter.add.f32 [tilespmem:s22], [sflag:$0x2], $0x1, s31, s23, $0xb8;
	[tilespmem:$0x2F00] =	vst v63  }
0x4e: {  	s31 =	sadd.s32 $0x100, s0  }
0x4f: {  	[spmem:s2] =	stream.indirect.scatter.add.f32 [tilespmem:s22], [sflag:$0x3], $0x1, s31, s23, $0xb8;
	[tilespmem:$0x2F00] =	vst v63  }
0x50: {  	s0 =	sadd.s32 $0x180, s0  }
0x51: {  	[spmem:s2] =	stream.indirect.scatter.add.f32 [tilespmem:s22], [sflag:$0x4], $0x1, s0, s23, $0xb8;
	[tilespmem:$0x2F00] =	vst v63  }
0x52: {  	_ =	swait.ge [sflag:s24], $0x80  }
0x53: {  	[sflag:s24] =	ssyncset.done $0x0  }
0x54: {  	[sflag:s24] =	ssyncadd.s32 $0xFFFFFF80  }
0x55: {  	_ =	swait.ge [sflag:s25], $0x80  }
0x56: {  	[sflag:s25] =	ssyncset.done $0x0  }
0x57: {  	[sflag:s25] =	ssyncadd.s32 $0xFFFFFF80  }
.Ltmp0:
0x58: {  	_ =	swait.ge [sflag:s26], $0x80;
	(pc) =	sbr.rel @p0 .LBB2_2-.Ltmp0, $4  }
0x59: {  	[sflag:s26] =	ssyncset.done $0x0  }
0x5a: {  	[sflag:s26] =	ssyncadd.s32 $0xFFFFFF80  }
0x5b: {  	_ =	swait.ge [sflag:s28], $0x80  }
0x5c: {  	s31 =	smov.u32 s1;
	[sflag:s28] =	ssyncset.done $0x0  }
0x5d: {  	s0 =	sshra.s32 s30, $0x2;
	[sflag:s28] =	ssyncadd.s32 $0xFFFFFF80  }
0x5e: {  	[spmem:s2] =	stream.indirect.scatter.add.f32 [tilespmem:s22], [sflag:$0x1], $0x1, s0, s23, $0xb8;
	[tilespmem:$0x2F00] =	vst v63  }
0x5f: {  	s1 =	sadd.s32 $0x80, s0  }
0x60: {  	[spmem:s2] =	stream.indirect.scatter.add.f32 [tilespmem:s22], [sflag:$0x2], $0x1, s1, s23, $0xb8;
	[tilespmem:$0x2F00] =	vst v63  }
0x61: {  	s31 =	sadd.s32 $0x100, s0  }
0x62: {  	[spmem:s2] =	stream.indirect.scatter.add.f32 [tilespmem:s22], [sflag:$0x3], $0x1, s31, s23, $0xb8;
	[tilespmem:$0x2F00] =	vst v63  }
0x63: {  	s0 =	sadd.s32 $0x180, s0  }
0x64: {  	[spmem:s2] =	stream.indirect.scatter.add.f32 [tilespmem:s22], [sflag:$0x4], $0x1, s0, s23, $0xb8;
	[tilespmem:$0x2F00] =	vst v63  }
0x65: {  	_ =	swait.ge [sflag:s24], $0x80  }
0x66: {  	[sflag:s24] =	ssyncset.done $0x0  }
0x67: {  	[sflag:s24] =	ssyncadd.s32 $0xFFFFFF80  }
0x68: {  	_ =	swait.ge [sflag:s25], $0x80  }
0x69: {  	[sflag:s25] =	ssyncset.done $0x0  }
0x6a: {  	[sflag:s25] =	ssyncadd.s32 $0xFFFFFF80  }
0x6b: {  	_ =	swait.ge [sflag:s26], $0x80  }
0x6c: {  	[sflag:s26] =	ssyncset.done $0x0  }
0x6d: {  	[sflag:s26] =	ssyncadd.s32 $0xFFFFFF80  }
0x6e: {  	_ =	swait.ge [sflag:s28], $0x80  }
0x6f: {  	[sflag:s28] =	ssyncset.done $0x0  }
0x70: {  	[sflag:s28] =	ssyncadd.s32 $0xFFFFFF80  }
0x71: {  	[bflag:$0x0] =	sbarrier.arrive $0xFFFF  }
0x72: {  	[tilespmem:s22], [sflag:$0x5] =	stream.linear.gather [spmem:s5], $0x80, $0x38;
	[tilespmem:$0x2F00] =	vst v63  }
0x73: {  	_ =	swait.ge [sflag:s21], $0x80  }
0x74: {  	[sflag:s21] =	ssyncset.done $0x0  }
0x75: {  	[sflag:s21] =	ssyncadd.s32 $0xFFFFFF80  }
0x76: {  	[hbm4b:s12+s3] =	stream.linear.scatter [tilespmem:s22], [sflag:$0x5], $0x80, $0x38;
	[tilespmem:$0x2F00] =	vst v63  }
0x77: {  	_ =	swait.ge [sflag:s21], $0x80  }
0x78: {  	[sflag:s21] =	ssyncset.done $0x0  }
0x79: {  	[sflag:s21] =	ssyncadd.s32 $0xFFFFFF80  }
0x7a: {  	[tilespmem:s22], [sflag:$0x5] =	stream.linear.gather [spmem:s13], $0x80, $0x38;
	[tilespmem:$0x2F00] =	vst v63  }
0x7b: {  	_ =	swait.ge [sflag:s21], $0x80  }
0x7c: {  	[sflag:s21] =	ssyncset.done $0x0  }
0x7d: {  	[sflag:s21] =	ssyncadd.s32 $0xFFFFFF80  }
0x7e: {  	[hbm4b:s14+s3] =	stream.linear.scatter [tilespmem:s22], [sflag:$0x5], $0x80, $0x38;
	[tilespmem:$0x2F00] =	vst v63  }
0x7f: {  	_ =	swait.ge [sflag:s21], $0x80  }
0x80: {  	[sflag:s21] =	ssyncset.done $0x0  }
0x81: {  	[sflag:s21] =	ssyncadd.s32 $0xFFFFFF80  }
0x82: {  	[tilespmem:s22], [sflag:$0x5] =	stream.linear.gather [spmem:s15], $0x80, $0x38;
	[tilespmem:$0x2F00] =	vst v63  }
0x83: {  	_ =	swait.ge [sflag:s21], $0x80  }
0x84: {  	[sflag:s21] =	ssyncset.done $0x0  }
0x85: {  	[sflag:s21] =	ssyncadd.s32 $0xFFFFFF80  }
0x86: {  	[hbm4b:s16+s3] =	stream.linear.scatter [tilespmem:s22], [sflag:$0x5], $0x80, $0x38;
	[tilespmem:$0x2F00] =	vst v63  }
0x87: {  	_ =	swait.ge [sflag:s21], $0x80  }
0x88: {  	[sflag:s21] =	ssyncset.done $0x0  }
0x89: {  	[sflag:s21] =	ssyncadd.s32 $0xFFFFFF80  }
0x8a: {  	[tilespmem:s22], [sflag:$0x5] =	stream.linear.gather [spmem:s17], $0x80, $0x38;
	[tilespmem:$0x2F00] =	vst v63  }
0x8b: {  	_ =	swait.ge [sflag:s21], $0x80  }
0x8c: {  	[sflag:s21] =	ssyncset.done $0x0  }
0x8d: {  	[sflag:s21] =	ssyncadd.s32 $0xFFFFFF80  }
0x8e: {  	[hbm4b:s18+s3] =	stream.linear.scatter [tilespmem:s22], [sflag:$0x5], $0x80, $0x38;
	[tilespmem:$0x2F00] =	vst v63  }
0x8f: {  	_ =	swait.ge [sflag:s21], $0x80  }
0x90: {  	[sflag:s21] =	ssyncset.done $0x0  }
0x91: {  	[sflag:s21] =	ssyncadd.s32 $0xFFFFFF80  }
0x92: {  	[tilespmem:s22], [sflag:$0x5] =	stream.linear.gather [spmem:s19], $0x80, $0x38;
	[tilespmem:$0x2F00] =	vst v63  }
0x93: {  	s29 =	sadd.s32 $0x1, s29;
	_ =	swait.ge [sflag:s21], $0x80  }
0x94: {  	p0 =	sne.s32 s29, s7;
	[sflag:s21] =	ssyncset.done $0x0  }
.Ltmp1:
0x95: {  	[sflag:s21] =	ssyncadd.s32 $0xFFFFFF80;
	(pc) =	sbr.rel @p0 .LBB2_1-.Ltmp1, $4  }
0x96: {  	[hbm4b:s20+s3] =	stream.linear.scatter [tilespmem:s22], [sflag:$0x5], $0x80, $0x38;
	[tilespmem:$0x2F00] =	vst v63  }
0x97: {  	_ =	swait.ge [sflag:s21], $0x80  }
0x98: {  	[sflag:s21] =	ssyncset.done $0x0  }
0x99: {  	[sflag:s21] =	ssyncadd.s32 $0xFFFFFF80  }
0x9a: {  	_ =	sfence.sel $0x180000  }
0x9b: {  	[bflag:$0x0] =	sbarrier.arrive $0xFFFF  }
0x9c: {  	_ =	strace $0x90000047  }
0x9d: {  	s0 =	stileid.u32;
	[bflag:$0x2] =	sbarrier.arrive $0xFFFF  }
0x9e: {  	p0 =	sne.s32 s0, $0x0;
	s0 =	rddreg [dreg:$0x3]  }
0x9f: {  	s0 =	sadd.s32 @!p0 $0x100000, s0  }
0xa0: {  	[sflag:s0] =	ssyncadd.tile.s32 @!p0 $0x1;
	_ =	shalt  }
.Lfunc_end2:
_tile_overlayer_lowered:
.L_overlay_start_2:
0xa1: {  	(tag) =	ssettag $0x2  }
0xa2: {  	s0 =	rddreg [dreg:$0x0];
	s2 =	stileid.u32  }
0xa3: {  	s1 =	rddreg [dreg:$0x1];
	p0 =	sne.s32 s2, $0x0  }
0xa4: {  	s3 =	rddreg [dreg:$0x2];
	[bflag:$0x3] =	sbarrier.arrive $0xFFFF;
	s2 =	simm.s32 @!p0 $0x1C05  }
0xa5: {  	[timem:s3], [sflag:s2] =	dma.local @!p0 [hbm:s0], s1  }
0xa6: {  	s0 =	simm.s32 @!p0 $0x5  }
0xa7: {  	_ =	swait.ge @!p0 [sflag:s0], s1  }
0xa8: {  	s1 =	ssub.s32 @!p0 $0x0, s1;
	[sflag:s0] =	ssyncset.done @!p0 $0x0  }
0xa9: {  	[sflag:s0] =	ssyncadd.s32 @!p0 s1  }
0xaa: {  	[bflag:$0x3] =	sbarrier.arrive $0xFFFF  }
0xab: {  	_ =	shalt  }

</sc_bundles>
